<compile_context>
chip_gen: v7x
topology: tpu7x:2x2x1
jax: 0.10.2.dev20260603
libtpu: 0.0.44.dev20260713+nightly
codegen_flags: <defaults>
</compile_context>

<pallas_src>
import functools

import jax
import jax.numpy as jnp
from jax import lax
from jax.experimental import pallas as pl
from jax.experimental.pallas import tpu as pltpu
from jax.experimental.pallas import tpu_sc as plsc

N_NODES = 10000
N_EDGES = 320000
D_IN = 128
D_OUT = 128

NC = 2
NS = 16
NW = NC * NS
NHALF = N_NODES // 2

CHUNK = 32
GEDGE = 128
NGRP = 160
E_PAD = NS * NGRP * GEDGE

XROWS = 10112
AROWS = 5056
TRASH = NHALF
NPAD = 10240
KD = 80

_mesh = plsc.VectorSubcoreMesh(core_axis_name="c", subcore_axis_name="s")


@functools.partial(
    pl.kernel,
    out_type=jax.ShapeDtypeStruct((NC, AROWS, D_IN), jnp.float32),
    mesh=_mesh,
    compiler_params=pltpu.CompilerParams(needs_layout_passes=False),
    scratch_types=[
        pltpu.VMEM((2, GEDGE), jnp.int32),
        pltpu.VMEM((2, GEDGE), jnp.int32),
        pltpu.VMEM((4, CHUNK), jnp.int32),
        pltpu.VMEM((CHUNK, D_IN), jnp.float32),
        pltpu.VMEM((CHUNK, D_IN), jnp.float32),
        pltpu.VMEM_SHARED((XROWS, D_IN), jnp.float32),
        pltpu.VMEM_SHARED((AROWS, D_IN), jnp.float32),
        pltpu.SemaphoreType.DMA,
        pltpu.SemaphoreType.DMA,
        pltpu.SemaphoreType.DMA,
    ],
)
def _sc_aggregate(x_hbm, src_hbm, dst_hbm, zeros_hbm, acc_hbm,
                  srcv, dstv, dsc, rows_a, rows_b, xs_s, acc_s,
                  sem_a, sem_b, sem_i):
    c = lax.axis_index("c")
    s = lax.axis_index("s")

    pltpu.sync_copy(x_hbm.at[pl.ds(s * (XROWS // NS), XROWS // NS)],
                    xs_s.at[pl.ds(s * (XROWS // NS), XROWS // NS)])

    @pl.when(s < 8)
    def _():
        pltpu.sync_copy(zeros_hbm, acc_s.at[pl.ds(s * (AROWS // 8),
                                                  AROWS // 8)])

    pltpu.sync_copy(src_hbm.at[s, 0], srcv.at[0])
    pltpu.sync_copy(dst_hbm.at[s, 0], dstv.at[0])
    plsc.subcore_barrier()

    iota16 = lax.iota(jnp.int32, 16)
    trash16 = TRASH + (iota16 & 7)
    base = c * NHALF

    def wait_gather(rows, sem):
        pltpu.make_async_copy(xs_s.at[pl.ds(0, CHUNK)], rows, sem).wait()

    def wait_idx(g1, slot):
        pltpu.make_async_copy(src_hbm.at[s, g1], srcv.at[slot], sem_i).wait()
        pltpu.make_async_copy(dst_hbm.at[s, g1], dstv.at[slot], sem_i).wait()

    pltpu.async_copy(xs_s.at[srcv.at[0, pl.ds(0, CHUNK)]], rows_a, sem_a)

    def body(grp, carry):
        p = grp % 2
        pn = 1 - p
        d_cur = dstv.at[p]

        for v in range(GEDGE // 16):
            d16 = d_cur[pl.ds(v * 16, 16)]
            loc = d16 - base
            bad = (loc < 0) | (loc >= NHALF)
            dsc.at[v // 2][pl.ds((v % 2) * 16, 16)] = jnp.where(
                bad, trash16, loc)

        @pl.when(grp + 1 < NGRP)
        def _():
            pltpu.async_copy(src_hbm.at[s, grp + 1], srcv.at[pn], sem_i)
            pltpu.async_copy(dst_hbm.at[s, grp + 1], dstv.at[pn], sem_i)

        pltpu.async_copy(xs_s.at[srcv.at[p, pl.ds(CHUNK, CHUNK)]], rows_b, sem_b)
        wait_gather(rows_a, sem_a)
        pltpu.sync_copy(rows_a, acc_s.at[dsc.at[0]], add=True)

        pltpu.async_copy(xs_s.at[srcv.at[p, pl.ds(2 * CHUNK, CHUNK)]],
                         rows_a, sem_a)
        wait_gather(rows_b, sem_b)
        pltpu.sync_copy(rows_b, acc_s.at[dsc.at[1]], add=True)

        pltpu.async_copy(xs_s.at[srcv.at[p, pl.ds(3 * CHUNK, CHUNK)]],
                         rows_b, sem_b)
        wait_gather(rows_a, sem_a)
        pltpu.sync_copy(rows_a, acc_s.at[dsc.at[2]], add=True)

        @pl.when(grp + 1 < NGRP)
        def _():
            wait_idx(grp + 1, pn)
            pltpu.async_copy(xs_s.at[srcv.at[pn, pl.ds(0, CHUNK)]],
                             rows_a, sem_a)

        wait_gather(rows_b, sem_b)
        pltpu.sync_copy(rows_b, acc_s.at[dsc.at[3]], add=True)
        return carry

    lax.fori_loop(0, NGRP, body, 0)
    plsc.subcore_barrier()

    @pl.when(s < 8)
    def _():
        pltpu.sync_copy(acc_s.at[pl.ds(s * (AROWS // 8), AROWS // 8)],
                        acc_hbm.at[c, pl.ds(s * (AROWS // 8), AROWS // 8)])


@functools.partial(
    pl.kernel,
    out_type=jax.ShapeDtypeStruct((NW, NPAD), jnp.float32),
    mesh=_mesh,
    compiler_params=pltpu.CompilerParams(needs_layout_passes=False),
    scratch_types=[
        pltpu.VMEM((KD, 128), jnp.int32),
        pltpu.VMEM((NPAD,), jnp.float32),
    ],
)
def _sc_degree(dst_hbm, zrow_hbm, deg_hbm, dslab, degv):
    c = lax.axis_index("c")
    s = lax.axis_index("s")
    wid = s * NC + c

    pltpu.sync_copy(zrow_hbm, degv)
    pltpu.sync_copy(dst_hbm.at[wid], dslab)

    ones16 = jnp.full((16,), 1.0, dtype=jnp.float32)

    def body(j, carry):
        for q in range(128 // 16):
            idx = dslab.at[j][pl.ds(q * 16, 16)]
            plsc.addupdate_scatter(degv, [idx], ones16)
        return carry

    lax.fori_loop(0, KD, body, 0)
    pltpu.sync_copy(degv, deg_hbm.at[wid])


def _tc_finish_body(acc_ref, deg_ref, w_ref, b_ref, out_ref):
    deg = jnp.sum(deg_ref[...], axis=1, keepdims=True)
    degc = jnp.maximum(deg, 1.0)
    scaled = acc_ref[...] / degc
    out_ref[...] = (
        lax.dot_general(scaled, w_ref[...], (((1,), (1,)), ((), ())),
                        preferred_element_type=jnp.float32)
        + jnp.where(deg > 0.0, 1.0, 0.0) * b_ref[...]
    )


def kernel(x, edge_index, W, b):
    src = edge_index[0]
    dst = edge_index[1]
    pad = E_PAD - N_EDGES
    src_p = jnp.concatenate([src, jnp.zeros((pad,), jnp.int32)])
    dst_p = jnp.concatenate([dst, jnp.full((pad,), N_NODES, jnp.int32)])
    src3 = src_p.reshape(NS, NGRP, GEDGE)
    dst3 = dst_p.reshape(NS, NGRP, GEDGE)
    dstd = dst_p.reshape(NW, KD, 128)
    xp = jnp.pad(x, ((0, XROWS - N_NODES), (0, 0)))
    zeros2d = jnp.zeros((AROWS // 8, D_IN), jnp.float32)
    zrow = jnp.zeros((NPAD,), jnp.float32)

    acc2 = _sc_aggregate(xp, src3, dst3, zeros2d)
    deg2 = _sc_degree(dstd, zrow)

    accf = jnp.concatenate([acc2[0, :NHALF], acc2[1, :NHALF]], axis=0)
    degm = deg2.T[:N_NODES, :]

    blk = 2000
    grid = N_NODES // blk
    out = pl.pallas_call(
        _tc_finish_body,
        grid=(grid,),
        in_specs=[
            pl.BlockSpec((blk, D_IN), lambda i: (i, 0)),
            pl.BlockSpec((blk, NW), lambda i: (i, 0)),
            pl.BlockSpec((D_OUT, D_IN), lambda i: (0, 0)),
            pl.BlockSpec((1, D_OUT), lambda i: (0, 0)),
        ],
        out_specs=pl.BlockSpec((blk, D_OUT), lambda i: (i, 0)),
        out_shape=jax.ShapeDtypeStruct((N_NODES, D_OUT), jnp.float32),
    )(accf, degm, W, b.reshape(1, D_OUT))
    return out

# --- scband reference (transcript-rebuilt; emitter-appended) ---
"""Pipeline reference for scband-simple-message-passing-352187319153 (READ-ONLY COPY).

The authoritative reference and input builder live on the scoring server;
editing this copy changes nothing except your own understanding.
"""

import jax, jax.numpy as jnp
import numpy as np

N_NODES = 10000
N_EDGES = 320000
D_IN = 128
D_OUT = 128


def setup_inputs(seed: int = 0) -> dict:
    key = jax.random.key(seed)
    k1, k2, k3 = jax.random.split(key, 3)
    x = jax.random.normal(k1, (N_NODES, D_IN), dtype=jnp.float32)
    edge_index = jax.random.randint(k2, (2, N_EDGES), 0, N_NODES, dtype=jnp.int32)
    # nn.Linear(in_channels, out_channels): weight [out, in], bias [out]
    W = jax.random.normal(k3, (D_OUT, D_IN), dtype=jnp.float32) * (1.0 / np.sqrt(D_IN))
    b = jnp.zeros((D_OUT,), dtype=jnp.float32)
    return {"x": x, "edge_index": edge_index, "W": W, "b": b}


def reference(x, edge_index, W, b):
    src = edge_index[0]
    dst = edge_index[1]
    # MESSAGE: linear transform of gathered source features
    messages = x[src] @ W.T + b
    # AGG: scatter-add (sum) over destination nodes
    out = jax.ops.segment_sum(messages, dst, num_segments=N_NODES)
    # mean aggregation: divide by in-degree clamped to >= 1
    deg = jax.ops.segment_sum(jnp.ones((N_EDGES,), dtype=jnp.float32), dst, num_segments=N_NODES)
    deg = jnp.maximum(deg, 1.0)
    return out / deg[:, None]

if __name__ == "__main__":
    import jax
    _d = setup_inputs()
    print(jax.jit(kernel)(*tuple(_d.values())))

</pallas_src>

<mosaic_0001>
#map = affine_map<(d0, d1) -> (0, 0, 0)>
#map1 = affine_map<(d0, d1) -> (0)>
#map2 = affine_map<(d0, d1) -> (0, 0)>
module attributes {stable_mosaic.version = 14 : i64} {
  func.func @_sc_degree(%arg0: i32, %arg1: i32, %arg2: memref<32x80x128xi32, #tpu.memory_space<hbm>>, %arg3: memref<10240xf32, #tpu.memory_space<hbm>>, %arg4: memref<32x10240xf32, #tpu.memory_space<hbm>>, %arg5: memref<80x128xi32, #tpu.memory_space<vmem>>, %arg6: memref<10240xf32, #tpu.memory_space<vmem>>) attributes {dimension_semantics = [#tpu.dimension_semantics<core_parallel>, #tpu.dimension_semantics<subcore_parallel>], iteration_bounds = array<i64: 2, 16>, scalar_prefetch = 0 : i64, scratch_operands = 2 : i64, tpu.core_type = #tpu.core_type<sc_vector_subcore>, window_params = [{transform_indices = #map}, {transform_indices = #map1}, {transform_indices = #map2}]} {
    %mul3A = arith.constant 2 : i32
    %mul3A_0 = arith.muli %arg1, %mul3A : i32
    %add3A = arith.addi %mul3A_0, %arg0 : i32
    "tpu.region"() ({
      %run_scoped3A = tpu.sem_alloc : memref<!tpu.dma_semaphore, #tpu.memory_space<semaphore_mem>>
      tpu.enqueue_dma source(%arg3 : memref<10240xf32, #tpu.memory_space<hbm>>) target(%arg6 : memref<10240xf32, #tpu.memory_space<vmem>>) target_semaphore(%run_scoped3A : memref<!tpu.dma_semaphore, #tpu.memory_space<semaphore_mem>>)
      tpu.wait_dma2 semaphore(%run_scoped3A : memref<!tpu.dma_semaphore, #tpu.memory_space<semaphore_mem>>) src(%arg3 : memref<10240xf32, #tpu.memory_space<hbm>>) dst(%arg6 : memref<10240xf32, #tpu.memory_space<vmem>>)
      tpu.yield
    }) : () -> ()
    "tpu.region"() ({
      %run_scoped3A = tpu.sem_alloc : memref<!tpu.dma_semaphore, #tpu.memory_space<semaphore_mem>>
      %dma_start3A = arith.constant 0 : i32
      %dma_start3A_7 = arith.constant 0 : i32
      %dma_start3A_8 = tpu.memref_slice %arg2[%add3A, %dma_start3A, %dma_start3A_7] : memref<32x80x128xi32, #tpu.memory_space<hbm>> -> memref<1x80x128xi32, #tpu.memory_space<hbm>>
      %dma_start3A_9 = tpu.memref_squeeze %dma_start3A_8 : memref<1x80x128xi32, #tpu.memory_space<hbm>> -> memref<80x128xi32, #tpu.memory_space<hbm>>
      %dma_start3A_10 = arith.constant 0 : i32
      %dma_start3A_11 = arith.constant 0 : i32
      %dma_start3A_12 = tpu.memref_slice %arg2[%add3A, %dma_start3A_10, %dma_start3A_11] : memref<32x80x128xi32, #tpu.memory_space<hbm>> -> memref<1x80x128xi32, #tpu.memory_space<hbm>>
      %dma_start3A_13 = tpu.memref_squeeze %dma_start3A_12 : memref<1x80x128xi32, #tpu.memory_space<hbm>> -> memref<80x128xi32, #tpu.memory_space<hbm>>
      tpu.enqueue_dma source(%dma_start3A_13 : memref<80x128xi32, #tpu.memory_space<hbm>>) target(%arg5 : memref<80x128xi32, #tpu.memory_space<vmem>>) target_semaphore(%run_scoped3A : memref<!tpu.dma_semaphore, #tpu.memory_space<semaphore_mem>>)
      %dma_wait3A = arith.constant 0 : i32
      %dma_wait3A_14 = arith.constant 0 : i32
      %dma_wait3A_15 = tpu.memref_slice %arg2[%add3A, %dma_wait3A, %dma_wait3A_14] : memref<32x80x128xi32, #tpu.memory_space<hbm>> -> memref<1x80x128xi32, #tpu.memory_space<hbm>>
      %dma_wait3A_16 = tpu.memref_squeeze %dma_wait3A_15 : memref<1x80x128xi32, #tpu.memory_space<hbm>> -> memref<80x128xi32, #tpu.memory_space<hbm>>
      %dma_wait3A_17 = arith.constant 0 : i32
      %dma_wait3A_18 = arith.constant 0 : i32
      %dma_wait3A_19 = tpu.memref_slice %arg2[%add3A, %dma_wait3A_17, %dma_wait3A_18] : memref<32x80x128xi32, #tpu.memory_space<hbm>> -> memref<1x80x128xi32, #tpu.memory_space<hbm>>
      %dma_wait3A_20 = tpu.memref_squeeze %dma_wait3A_19 : memref<1x80x128xi32, #tpu.memory_space<hbm>> -> memref<80x128xi32, #tpu.memory_space<hbm>>
      tpu.wait_dma2 semaphore(%run_scoped3A : memref<!tpu.dma_semaphore, #tpu.memory_space<semaphore_mem>>) src(%dma_wait3A_20 : memref<80x128xi32, #tpu.memory_space<hbm>>) dst(%arg5 : memref<80x128xi32, #tpu.memory_space<vmem>>)
      tpu.yield
    }) : () -> ()
    %broadcast_in_dim3A = arith.constant 1.000000e+00 : f32
    %broadcast_in_dim3A_1 = vector.broadcast %broadcast_in_dim3A : f32 to vector<16xf32>
    %scan3A = arith.constant 0 : i32
    %scan3A_2 = arith.constant 0 : i32
    %scan3A_3 = arith.constant 80 : i32
    %scan3A_4 = arith.addi %scan3A_2, %scan3A_3 : i32
    %scan3A_5 = arith.constant 1 : i32
    scf.for %scan3A_7 = %scan3A_2 to %scan3A_4 step %scan3A_5  : i32 {
      %get3A = arith.constant 0 : i32
      %get3A_8 = tpu.memref_slice %arg5[%scan3A_7, %get3A] : memref<80x128xi32, #tpu.memory_space<vmem>> -> memref<1x128xi32, #tpu.memory_space<vmem>>
      %get3A_9 = tpu.memref_squeeze %get3A_8 : memref<1x128xi32, #tpu.memory_space<vmem>> -> memref<128xi32, #tpu.memory_space<vmem>>
      %get3A_10 = arith.constant 0 : index
      %get3A_11 = tpu.vector_load %get3A_9[%get3A_10] {strides = array<i32>} : memref<128xi32, #tpu.memory_space<vmem>>, vector<16xi32>,
      tpu.vector_store_idx %arg6[%get3A_11], %broadcast_in_dim3A_1 {add = true} : memref<10240xf32, #tpu.memory_space<vmem>>[vector<16xi32>], vector<16xf32>,
      %get3A_12 = arith.constant 0 : i32
      %get3A_13 = tpu.memref_slice %arg5[%scan3A_7, %get3A_12] : memref<80x128xi32, #tpu.memory_space<vmem>> -> memref<1x128xi32, #tpu.memory_space<vmem>>
      %get3A_14 = tpu.memref_squeeze %get3A_13 : memref<1x128xi32, #tpu.memory_space<vmem>> -> memref<128xi32, #tpu.memory_space<vmem>>
      %get3A_15 = arith.constant 16 : index
      %get3A_16 = tpu.vector_load %get3A_14[%get3A_15] {strides = array<i32>} : memref<128xi32, #tpu.memory_space<vmem>>, vector<16xi32>,
      tpu.vector_store_idx %arg6[%get3A_16], %broadcast_in_dim3A_1 {add = true} : memref<10240xf32, #tpu.memory_space<vmem>>[vector<16xi32>], vector<16xf32>,
      %get3A_17 = arith.constant 0 : i32
      %get3A_18 = tpu.memref_slice %arg5[%scan3A_7, %get3A_17] : memref<80x128xi32, #tpu.memory_space<vmem>> -> memref<1x128xi32, #tpu.memory_space<vmem>>
      %get3A_19 = tpu.memref_squeeze %get3A_18 : memref<1x128xi32, #tpu.memory_space<vmem>> -> memref<128xi32, #tpu.memory_space<vmem>>
      %get3A_20 = arith.constant 32 : index
      %get3A_21 = tpu.vector_load %get3A_19[%get3A_20] {strides = array<i32>} : memref<128xi32, #tpu.memory_space<vmem>>, vector<16xi32>,
      tpu.vector_store_idx %arg6[%get3A_21], %broadcast_in_dim3A_1 {add = true} : memref<10240xf32, #tpu.memory_space<vmem>>[vector<16xi32>], vector<16xf32>,
      %get3A_22 = arith.constant 0 : i32
      %get3A_23 = tpu.memref_slice %arg5[%scan3A_7, %get3A_22] : memref<80x128xi32, #tpu.memory_space<vmem>> -> memref<1x128xi32, #tpu.memory_space<vmem>>
      %get3A_24 = tpu.memref_squeeze %get3A_23 : memref<1x128xi32, #tpu.memory_space<vmem>> -> memref<128xi32, #tpu.memory_space<vmem>>
      %get3A_25 = arith.constant 48 : index
      %get3A_26 = tpu.vector_load %get3A_24[%get3A_25] {strides = array<i32>} : memref<128xi32, #tpu.memory_space<vmem>>, vector<16xi32>,
      tpu.vector_store_idx %arg6[%get3A_26], %broadcast_in_dim3A_1 {add = true} : memref<10240xf32, #tpu.memory_space<vmem>>[vector<16xi32>], vector<16xf32>,
      %get3A_27 = arith.constant 0 : i32
      %get3A_28 = tpu.memref_slice %arg5[%scan3A_7, %get3A_27] : memref<80x128xi32, #tpu.memory_space<vmem>> -> memref<1x128xi32, #tpu.memory_space<vmem>>
      %get3A_29 = tpu.memref_squeeze %get3A_28 : memref<1x128xi32, #tpu.memory_space<vmem>> -> memref<128xi32, #tpu.memory_space<vmem>>
      %get3A_30 = arith.constant 64 : index
      %get3A_31 = tpu.vector_load %get3A_29[%get3A_30] {strides = array<i32>} : memref<128xi32, #tpu.memory_space<vmem>>, vector<16xi32>,
      tpu.vector_store_idx %arg6[%get3A_31], %broadcast_in_dim3A_1 {add = true} : memref<10240xf32, #tpu.memory_space<vmem>>[vector<16xi32>], vector<16xf32>,
      %get3A_32 = arith.constant 0 : i32
      %get3A_33 = tpu.memref_slice %arg5[%scan3A_7, %get3A_32] : memref<80x128xi32, #tpu.memory_space<vmem>> -> memref<1x128xi32, #tpu.memory_space<vmem>>
      %get3A_34 = tpu.memref_squeeze %get3A_33 : memref<1x128xi32, #tpu.memory_space<vmem>> -> memref<128xi32, #tpu.memory_space<vmem>>
      %get3A_35 = arith.constant 80 : index
      %get3A_36 = tpu.vector_load %get3A_34[%get3A_35] {strides = array<i32>} : memref<128xi32, #tpu.memory_space<vmem>>, vector<16xi32>,
      tpu.vector_store_idx %arg6[%get3A_36], %broadcast_in_dim3A_1 {add = true} : memref<10240xf32, #tpu.memory_space<vmem>>[vector<16xi32>], vector<16xf32>,
      %get3A_37 = arith.constant 0 : i32
      %get3A_38 = tpu.memref_slice %arg5[%scan3A_7, %get3A_37] : memref<80x128xi32, #tpu.memory_space<vmem>> -> memref<1x128xi32, #tpu.memory_space<vmem>>
      %get3A_39 = tpu.memref_squeeze %get3A_38 : memref<1x128xi32, #tpu.memory_space<vmem>> -> memref<128xi32, #tpu.memory_space<vmem>>
      %get3A_40 = arith.constant 96 : index
      %get3A_41 = tpu.vector_load %get3A_39[%get3A_40] {strides = array<i32>} : memref<128xi32, #tpu.memory_space<vmem>>, vector<16xi32>,
      tpu.vector_store_idx %arg6[%get3A_41], %broadcast_in_dim3A_1 {add = true} : memref<10240xf32, #tpu.memory_space<vmem>>[vector<16xi32>], vector<16xf32>,
      %get3A_42 = arith.constant 0 : i32
      %get3A_43 = tpu.memref_slice %arg5[%scan3A_7, %get3A_42] : memref<80x128xi32, #tpu.memory_space<vmem>> -> memref<1x128xi32, #tpu.memory_space<vmem>>
      %get3A_44 = tpu.memref_squeeze %get3A_43 : memref<1x128xi32, #tpu.memory_space<vmem>> -> memref<128xi32, #tpu.memory_space<vmem>>
      %get3A_45 = arith.constant 112 : index
      %get3A_46 = tpu.vector_load %get3A_44[%get3A_45] {strides = array<i32>} : memref<128xi32, #tpu.memory_space<vmem>>, vector<16xi32>,
      tpu.vector_store_idx %arg6[%get3A_46], %broadcast_in_dim3A_1 {add = true} : memref<10240xf32, #tpu.memory_space<vmem>>[vector<16xi32>], vector<16xf32>,
    }
    %scan3A_6 = arith.constant 80 : i32
    "tpu.region"() ({
      %run_scoped3A = tpu.sem_alloc : memref<!tpu.dma_semaphore, #tpu.memory_space<semaphore_mem>>
      %dma_start3A = arith.constant 0 : i32
      %dma_start3A_7 = tpu.memref_slice %arg4[%add3A, %dma_start3A] : memref<32x10240xf32, #tpu.memory_space<hbm>> -> memref<1x10240xf32, #tpu.memory_space<hbm>>
      %dma_start3A_8 = tpu.memref_squeeze %dma_start3A_7 : memref<1x10240xf32, #tpu.memory_space<hbm>> -> memref<10240xf32, #tpu.memory_space<hbm>>
      %dma_start3A_9 = arith.constant 0 : i32
      %dma_start3A_10 = tpu.memref_slice %arg4[%add3A, %dma_start3A_9] : memref<32x10240xf32, #tpu.memory_space<hbm>> -> memref<1x10240xf32, #tpu.memory_space<hbm>>
      %dma_start3A_11 = tpu.memref_squeeze %dma_start3A_10 : memref<1x10240xf32, #tpu.memory_space<hbm>> -> memref<10240xf32, #tpu.memory_space<hbm>>
      tpu.enqueue_dma source(%arg6 : memref<10240xf32, #tpu.memory_space<vmem>>) target(%dma_start3A_11 : memref<10240xf32, #tpu.memory_space<hbm>>) target_semaphore(%run_scoped3A : memref<!tpu.dma_semaphore, #tpu.memory_space<semaphore_mem>>)
      %dma_wait3A = arith.constant 0 : i32
      %dma_wait3A_12 = tpu.memref_slice %arg4[%add3A, %dma_wait3A] : memref<32x10240xf32, #tpu.memory_space<hbm>> -> memref<1x10240xf32, #tpu.memory_space<hbm>>
      %dma_wait3A_13 = tpu.memref_squeeze %dma_wait3A_12 : memref<1x10240xf32, #tpu.memory_space<hbm>> -> memref<10240xf32, #tpu.memory_space<hbm>>
      %dma_wait3A_14 = arith.constant 0 : i32
      %dma_wait3A_15 = tpu.memref_slice %arg4[%add3A, %dma_wait3A_14] : memref<32x10240xf32, #tpu.memory_space<hbm>> -> memref<1x10240xf32, #tpu.memory_space<hbm>>
      %dma_wait3A_16 = tpu.memref_squeeze %dma_wait3A_15 : memref<1x10240xf32, #tpu.memory_space<hbm>> -> memref<10240xf32, #tpu.memory_space<hbm>>
      tpu.wait_dma2 semaphore(%run_scoped3A : memref<!tpu.dma_semaphore, #tpu.memory_space<semaphore_mem>>) src(%arg6 : memref<10240xf32, #tpu.memory_space<vmem>>) dst(%dma_wait3A_16 : memref<10240xf32, #tpu.memory_space<hbm>>)
      tpu.yield
    }) : () -> ()
    return
  }
}

#map = affine_map<(d0, d1) -> (0, 0)>
#map1 = affine_map<(d0, d1) -> (0, 0, 0)>
module attributes {stable_mosaic.version = 14 : i64} {
  func.func @_sc_aggregate(%arg0: i32, %arg1: i32, %arg2: memref<10112x128xf32, #tpu.memory_space<hbm>>, %arg3: memref<16x160x128xi32, #tpu.memory_space<hbm>>, %arg4: memref<16x160x128xi32, #tpu.memory_space<hbm>>, %arg5: memref<632x128xf32, #tpu.memory_space<hbm>>, %arg6: memref<2x5056x128xf32, #tpu.memory_space<hbm>>, %arg7: memref<2x128xi32, #tpu.memory_space<vmem>>, %arg8: memref<2x128xi32, #tpu.memory_space<vmem>>, %arg9: memref<4x32xi32, #tpu.memory_space<vmem>>, %arg10: memref<32x128xf32, #tpu.memory_space<vmem>>, %arg11: memref<32x128xf32, #tpu.memory_space<vmem>>, %arg12: memref<10112x128xf32, #tpu.memory_space<vmem_shared>>, %arg13: memref<5056x128xf32, #tpu.memory_space<vmem_shared>>, %arg14: memref<!tpu.dma_semaphore, #tpu.memory_space<semaphore_mem>>, %arg15: memref<!tpu.dma_semaphore, #tpu.memory_space<semaphore_mem>>, %arg16: memref<!tpu.dma_semaphore, #tpu.memory_space<semaphore_mem>>) attributes {dimension_semantics = [#tpu.dimension_semantics<core_parallel>, #tpu.dimension_semantics<subcore_parallel>], iteration_bounds = array<i64: 2, 16>, scalar_prefetch = 0 : i64, scratch_operands = 10 : i64, tpu.core_type = #tpu.core_type<sc_vector_subcore>, window_params = [{transform_indices = #map}, {transform_indices = #map1}, {transform_indices = #map1}, {transform_indices = #map}, {transform_indices = #map1}]} {
    %mul3A = arith.constant 632 : i32
    %mul3A_0 = arith.muli %arg1, %mul3A : i32
    %mul3A_1 = arith.constant 632 : i32
    %mul3A_2 = arith.muli %arg1, %mul3A_1 : i32
    "tpu.region"() ({
      %run_scoped3A_31 = tpu.sem_alloc : memref<!tpu.dma_semaphore, #tpu.memory_space<semaphore_mem>>
      %dma_start3A_32 = arith.constant 0 : i32
      %dma_start3A_33 = tpu.memref_slice %arg12[%mul3A_2, %dma_start3A_32] : memref<10112x128xf32, #tpu.memory_space<vmem_shared>> -> memref<632x128xf32, #tpu.memory_space<vmem_shared>>
      %dma_start3A_34 = arith.constant 0 : i32
      %dma_start3A_35 = tpu.memref_slice %arg2[%mul3A_0, %dma_start3A_34] : memref<10112x128xf32, #tpu.memory_space<hbm>> -> memref<632x128xf32, #tpu.memory_space<hbm>>
      tpu.enqueue_dma source(%dma_start3A_35 : memref<632x128xf32, #tpu.memory_space<hbm>>) target(%dma_start3A_33 : memref<632x128xf32, #tpu.memory_space<vmem_shared>>) target_semaphore(%run_scoped3A_31 : memref<!tpu.dma_semaphore, #tpu.memory_space<semaphore_mem>>)
      %dma_wait3A = arith.constant 0 : i32
      %dma_wait3A_36 = tpu.memref_slice %arg12[%mul3A_2, %dma_wait3A] : memref<10112x128xf32, #tpu.memory_space<vmem_shared>> -> memref<632x128xf32, #tpu.memory_space<vmem_shared>>
      %dma_wait3A_37 = arith.constant 0 : i32
      %dma_wait3A_38 = tpu.memref_slice %arg2[%mul3A_0, %dma_wait3A_37] : memref<10112x128xf32, #tpu.memory_space<hbm>> -> memref<632x128xf32, #tpu.memory_space<hbm>>
      tpu.wait_dma2 semaphore(%run_scoped3A_31 : memref<!tpu.dma_semaphore, #tpu.memory_space<semaphore_mem>>) src(%dma_wait3A_38 : memref<632x128xf32, #tpu.memory_space<hbm>>) dst(%dma_wait3A_36 : memref<632x128xf32, #tpu.memory_space<vmem_shared>>)
      tpu.yield
    }) : () -> ()
    %lt3A = arith.constant 8 : i32
    %lt3A_3 = arith.cmpi slt, %arg1, %lt3A : i32
    %convert_element_type3A = arith.extui %lt3A_3 : i1 to i32
    %cond3A = arith.constant 0 : i32
    %cond3A_4 = arith.cmpi ne, %convert_element_type3A, %cond3A : i32
    scf.if %cond3A_4 {
      %mul3A_31 = arith.constant 632 : i32
      %mul3A_32 = arith.muli %arg1, %mul3A_31 : i32
      "tpu.region"() ({
        %run_scoped3A_33 = tpu.sem_alloc : memref<!tpu.dma_semaphore, #tpu.memory_space<semaphore_mem>>
        %dma_start3A_34 = arith.constant 0 : i32
        %dma_start3A_35 = tpu.memref_slice %arg13[%mul3A_32, %dma_start3A_34] : memref<5056x128xf32, #tpu.memory_space<vmem_shared>> -> memref<632x128xf32, #tpu.memory_space<vmem_shared>>
        tpu.enqueue_dma source(%arg5 : memref<632x128xf32, #tpu.memory_space<hbm>>) target(%dma_start3A_35 : memref<632x128xf32, #tpu.memory_space<vmem_shared>>) target_semaphore(%run_scoped3A_33 : memref<!tpu.dma_semaphore, #tpu.memory_space<semaphore_mem>>)
        %dma_wait3A = arith.constant 0 : i32
        %dma_wait3A_36 = tpu.memref_slice %arg13[%mul3A_32, %dma_wait3A] : memref<5056x128xf32, #tpu.memory_space<vmem_shared>> -> memref<632x128xf32, #tpu.memory_space<vmem_shared>>
        tpu.wait_dma2 semaphore(%run_scoped3A_33 : memref<!tpu.dma_semaphore, #tpu.memory_space<semaphore_mem>>) src(%arg5 : memref<632x128xf32, #tpu.memory_space<hbm>>) dst(%dma_wait3A_36 : memref<632x128xf32, #tpu.memory_space<vmem_shared>>)
        tpu.yield
      }) : () -> ()
    } else {
    }
    %run_scoped3A = arith.constant 0 : i32
    %run_scoped3A_5 = arith.constant 0 : i32
    "tpu.region"() ({
      %run_scoped3A_31 = tpu.sem_alloc : memref<!tpu.dma_semaphore, #tpu.memory_space<semaphore_mem>>
      %dma_start3A_32 = arith.constant 0 : i32
      %dma_start3A_33 = tpu.memref_slice %arg7[%run_scoped3A_5, %dma_start3A_32] : memref<2x128xi32, #tpu.memory_space<vmem>> -> memref<1x128xi32, #tpu.memory_space<vmem>>
      %dma_start3A_34 = tpu.memref_squeeze %dma_start3A_33 : memref<1x128xi32, #tpu.memory_space<vmem>> -> memref<128xi32, #tpu.memory_space<vmem>>
      %dma_start3A_35 = arith.constant 0 : i32
      %dma_start3A_36 = tpu.memref_slice %arg3[%arg1, %run_scoped3A, %dma_start3A_35] : memref<16x160x128xi32, #tpu.memory_space<hbm>> -> memref<1x1x128xi32, #tpu.memory_space<hbm>>
      %dma_start3A_37 = tpu.memref_squeeze %dma_start3A_36 : memref<1x1x128xi32, #tpu.memory_space<hbm>> -> memref<128xi32, #tpu.memory_space<hbm>>
      %dma_start3A_38 = arith.constant 0 : i32
      %dma_start3A_39 = tpu.memref_slice %arg7[%run_scoped3A_5, %dma_start3A_38] : memref<2x128xi32, #tpu.memory_space<vmem>> -> memref<1x128xi32, #tpu.memory_space<vmem>>
      %dma_start3A_40 = tpu.memref_squeeze %dma_start3A_39 : memref<1x128xi32, #tpu.memory_space<vmem>> -> memref<128xi32, #tpu.memory_space<vmem>>
      %dma_start3A_41 = arith.constant 0 : i32
      %dma_start3A_42 = tpu.memref_slice %arg3[%arg1, %run_scoped3A, %dma_start3A_41] : memref<16x160x128xi32, #tpu.memory_space<hbm>> -> memref<1x1x128xi32, #tpu.memory_space<hbm>>
      %dma_start3A_43 = tpu.memref_squeeze %dma_start3A_42 : memref<1x1x128xi32, #tpu.memory_space<hbm>> -> memref<128xi32, #tpu.memory_space<hbm>>
      tpu.enqueue_dma source(%dma_start3A_43 : memref<128xi32, #tpu.memory_space<hbm>>) target(%dma_start3A_40 : memref<128xi32, #tpu.memory_space<vmem>>) target_semaphore(%run_scoped3A_31 : memref<!tpu.dma_semaphore, #tpu.memory_space<semaphore_mem>>)
      %dma_wait3A = arith.constant 0 : i32
      %dma_wait3A_44 = tpu.memref_slice %arg7[%run_scoped3A_5, %dma_wait3A] : memref<2x128xi32, #tpu.memory_space<vmem>> -> memref<1x128xi32, #tpu.memory_space<vmem>>
      %dma_wait3A_45 = tpu.memref_squeeze %dma_wait3A_44 : memref<1x128xi32, #tpu.memory_space<vmem>> -> memref<128xi32, #tpu.memory_space<vmem>>
      %dma_wait3A_46 = arith.constant 0 : i32
      %dma_wait3A_47 = tpu.memref_slice %arg3[%arg1, %run_scoped3A, %dma_wait3A_46] : memref<16x160x128xi32, #tpu.memory_space<hbm>> -> memref<1x1x128xi32, #tpu.memory_space<hbm>>
      %dma_wait3A_48 = tpu.memref_squeeze %dma_wait3A_47 : memref<1x1x128xi32, #tpu.memory_space<hbm>> -> memref<128xi32, #tpu.memory_space<hbm>>
      %dma_wait3A_49 = arith.constant 0 : i32
      %dma_wait3A_50 = tpu.memref_slice %arg7[%run_scoped3A_5, %dma_wait3A_49] : memref<2x128xi32, #tpu.memory_space<vmem>> -> memref<1x128xi32, #tpu.memory_space<vmem>>
      %dma_wait3A_51 = tpu.memref_squeeze %dma_wait3A_50 : memref<1x128xi32, #tpu.memory_space<vmem>> -> memref<128xi32, #tpu.memory_space<vmem>>
      %dma_wait3A_52 = arith.constant 0 : i32
      %dma_wait3A_53 = tpu.memref_slice %arg3[%arg1, %run_scoped3A, %dma_wait3A_52] : memref<16x160x128xi32, #tpu.memory_space<hbm>> -> memref<1x1x128xi32, #tpu.memory_space<hbm>>
      %dma_wait3A_54 = tpu.memref_squeeze %dma_wait3A_53 : memref<1x1x128xi32, #tpu.memory_space<hbm>> -> memref<128xi32, #tpu.memory_space<hbm>>
      tpu.wait_dma2 semaphore(%run_scoped3A_31 : memref<!tpu.dma_semaphore, #tpu.memory_space<semaphore_mem>>) src(%dma_wait3A_54 : memref<128xi32, #tpu.memory_space<hbm>>) dst(%dma_wait3A_51 : memref<128xi32, #tpu.memory_space<vmem>>)
      tpu.yield
    }) : () -> ()
    %run_scoped3A_6 = arith.constant 0 : i32
    %run_scoped3A_7 = arith.constant 0 : i32
    "tpu.region"() ({
      %run_scoped3A_31 = tpu.sem_alloc : memref<!tpu.dma_semaphore, #tpu.memory_space<semaphore_mem>>
      %dma_start3A_32 = arith.constant 0 : i32
      %dma_start3A_33 = tpu.memref_slice %arg8[%run_scoped3A_7, %dma_start3A_32] : memref<2x128xi32, #tpu.memory_space<vmem>> -> memref<1x128xi32, #tpu.memory_space<vmem>>
      %dma_start3A_34 = tpu.memref_squeeze %dma_start3A_33 : memref<1x128xi32, #tpu.memory_space<vmem>> -> memref<128xi32, #tpu.memory_space<vmem>>
      %dma_start3A_35 = arith.constant 0 : i32
      %dma_start3A_36 = tpu.memref_slice %arg4[%arg1, %run_scoped3A_6, %dma_start3A_35] : memref<16x160x128xi32, #tpu.memory_space<hbm>> -> memref<1x1x128xi32, #tpu.memory_space<hbm>>
      %dma_start3A_37 = tpu.memref_squeeze %dma_start3A_36 : memref<1x1x128xi32, #tpu.memory_space<hbm>> -> memref<128xi32, #tpu.memory_space<hbm>>
      %dma_start3A_38 = arith.constant 0 : i32
      %dma_start3A_39 = tpu.memref_slice %arg8[%run_scoped3A_7, %dma_start3A_38] : memref<2x128xi32, #tpu.memory_space<vmem>> -> memref<1x128xi32, #tpu.memory_space<vmem>>
      %dma_start3A_40 = tpu.memref_squeeze %dma_start3A_39 : memref<1x128xi32, #tpu.memory_space<vmem>> -> memref<128xi32, #tpu.memory_space<vmem>>
      %dma_start3A_41 = arith.constant 0 : i32
      %dma_start3A_42 = tpu.memref_slice %arg4[%arg1, %run_scoped3A_6, %dma_start3A_41] : memref<16x160x128xi32, #tpu.memory_space<hbm>> -> memref<1x1x128xi32, #tpu.memory_space<hbm>>
      %dma_start3A_43 = tpu.memref_squeeze %dma_start3A_42 : memref<1x1x128xi32, #tpu.memory_space<hbm>> -> memref<128xi32, #tpu.memory_space<hbm>>
      tpu.enqueue_dma source(%dma_start3A_43 : memref<128xi32, #tpu.memory_space<hbm>>) target(%dma_start3A_40 : memref<128xi32, #tpu.memory_space<vmem>>) target_semaphore(%run_scoped3A_31 : memref<!tpu.dma_semaphore, #tpu.memory_space<semaphore_mem>>)
      %dma_wait3A = arith.constant 0 : i32
      %dma_wait3A_44 = tpu.memref_slice %arg8[%run_scoped3A_7, %dma_wait3A] : memref<2x128xi32, #tpu.memory_space<vmem>> -> memref<1x128xi32, #tpu.memory_space<vmem>>
      %dma_wait3A_45 = tpu.memref_squeeze %dma_wait3A_44 : memref<1x128xi32, #tpu.memory_space<vmem>> -> memref<128xi32, #tpu.memory_space<vmem>>
      %dma_wait3A_46 = arith.constant 0 : i32
      %dma_wait3A_47 = tpu.memref_slice %arg4[%arg1, %run_scoped3A_6, %dma_wait3A_46] : memref<16x160x128xi32, #tpu.memory_space<hbm>> -> memref<1x1x128xi32, #tpu.memory_space<hbm>>
      %dma_wait3A_48 = tpu.memref_squeeze %dma_wait3A_47 : memref<1x1x128xi32, #tpu.memory_space<hbm>> -> memref<128xi32, #tpu.memory_space<hbm>>
      %dma_wait3A_49 = arith.constant 0 : i32
      %dma_wait3A_50 = tpu.memref_slice %arg8[%run_scoped3A_7, %dma_wait3A_49] : memref<2x128xi32, #tpu.memory_space<vmem>> -> memref<1x128xi32, #tpu.memory_space<vmem>>
      %dma_wait3A_51 = tpu.memref_squeeze %dma_wait3A_50 : memref<1x128xi32, #tpu.memory_space<vmem>> -> memref<128xi32, #tpu.memory_space<vmem>>
      %dma_wait3A_52 = arith.constant 0 : i32
      %dma_wait3A_53 = tpu.memref_slice %arg4[%arg1, %run_scoped3A_6, %dma_wait3A_52] : memref<16x160x128xi32, #tpu.memory_space<hbm>> -> memref<1x1x128xi32, #tpu.memory_space<hbm>>
      %dma_wait3A_54 = tpu.memref_squeeze %dma_wait3A_53 : memref<1x1x128xi32, #tpu.memory_space<hbm>> -> memref<128xi32, #tpu.memory_space<hbm>>
      tpu.wait_dma2 semaphore(%run_scoped3A_31 : memref<!tpu.dma_semaphore, #tpu.memory_space<semaphore_mem>>) src(%dma_wait3A_54 : memref<128xi32, #tpu.memory_space<hbm>>) dst(%dma_wait3A_51 : memref<128xi32, #tpu.memory_space<vmem>>)
      tpu.yield
    }) : () -> ()
    %barrier3A = arith.constant 0 : index
    tpu.barrier barrier_id(%barrier3A)
    %iota3A = tpu.iota {dimensions = array<i32: 0>} : vector<16xi32>
    %and3A = arith.constant 7 : i32
    %and3A_8 = vector.broadcast %and3A : i32 to vector<16xi32>
    %and3A_9 = arith.andi %iota3A, %and3A_8 : vector<16xi32>
    %add3A = arith.constant 5000 : i32
    %add3A_10 = vector.broadcast %add3A : i32 to vector<16xi32>
    %add3A_11 = arith.addi %add3A_10, %and3A_9 : vector<16xi32>
    %mul3A_12 = arith.constant 5000 : i32
    %mul3A_13 = arith.muli %arg0, %mul3A_12 : i32
    %dma_start3A = arith.constant 0 : i32
    %dma_start3A_14 = arith.constant 0 : i32
    %dma_start3A_15 = tpu.memref_slice %arg7[%dma_start3A, %dma_start3A_14] : memref<2x128xi32, #tpu.memory_space<vmem>> -> memref<1x32xi32, #tpu.memory_space<vmem>>
    %dma_start3A_16 = tpu.memref_squeeze %dma_start3A_15 : memref<1x32xi32, #tpu.memory_space<vmem>> -> memref<32xi32, #tpu.memory_space<vmem>>
    %dma_start3A_17 = arith.constant 0 : i32
    %dma_start3A_18 = arith.constant 0 : i32
    %dma_start3A_19 = tpu.memref_slice %arg12[%dma_start3A_17, %dma_start3A_18] : memref<10112x128xf32, #tpu.memory_space<vmem_shared>> -> memref<10112x128xf32, #tpu.memory_space<vmem_shared>>
    tpu.enqueue_indirect_dma source(%dma_start3A_19 : memref<10112x128xf32, #tpu.memory_space<vmem_shared>>) target(%arg10 : memref<32x128xf32, #tpu.memory_space<vmem>>) offsets(%dma_start3A_16 : memref<32xi32, #tpu.memory_space<vmem>>) semaphore(%arg14 : memref<!tpu.dma_semaphore, #tpu.memory_space<semaphore_mem>>)
    %scan3A = arith.constant 0 : i32
    %scan3A_20 = arith.constant 0 : i32
    %scan3A_21 = arith.constant 160 : i32
    %scan3A_22 = arith.addi %scan3A_20, %scan3A_21 : i32
    %scan3A_23 = arith.constant 1 : i32
    scf.for %scan3A_31 = %scan3A_20 to %scan3A_22 step %scan3A_23  : i32 {
      %jit3A = arith.constant 2 : i32
      %eq3A = arith.constant 0 : i32
      %eq3A_32 = arith.cmpi eq, %jit3A, %eq3A : i32
      %jit3A_33 = arith.constant 1 : i32
      %select_n3A = arith.select %eq3A_32, %jit3A_33, %jit3A : i32
      %rem3A = arith.remsi %scan3A_31, %select_n3A : i32
      %ne3A = arith.constant 0 : i32
      %ne3A_34 = arith.cmpi ne, %rem3A, %ne3A : i32
      %lt3A_35 = arith.constant 0 : i32
      %lt3A_36 = arith.cmpi slt, %rem3A, %lt3A_35 : i32
      %lt3A_37 = arith.constant 0 : i32
      %lt3A_38 = arith.cmpi slt, %select_n3A, %lt3A_37 : i32
      %ne3A_39 = arith.xori %lt3A_36, %lt3A_38 : i1
      %and3A_40 = arith.andi %ne3A_39, %ne3A_34 : i1
      %add3A_41 = arith.addi %rem3A, %select_n3A : i32
      %select_n3A_42 = arith.select %and3A_40, %add3A_41, %rem3A : i32
      %sub3A = arith.constant 1 : i32
      %sub3A_43 = arith.subi %sub3A, %select_n3A_42 : i32
      %get3A = arith.constant 0 : i32
      %get3A_44 = tpu.memref_slice %arg8[%select_n3A_42, %get3A] : memref<2x128xi32, #tpu.memory_space<vmem>> -> memref<1x128xi32, #tpu.memory_space<vmem>>
      %get3A_45 = tpu.memref_squeeze %get3A_44 : memref<1x128xi32, #tpu.memory_space<vmem>> -> memref<128xi32, #tpu.memory_space<vmem>>
      %get3A_46 = arith.constant 0 : index
      %get3A_47 = tpu.vector_load %get3A_45[%get3A_46] {strides = array<i32>} : memref<128xi32, #tpu.memory_space<vmem>>, vector<16xi32>,
      %sub3A_48 = vector.broadcast %mul3A_13 : i32 to vector<16xi32>
      %sub3A_49 = arith.subi %get3A_47, %sub3A_48 : vector<16xi32>
      %lt3A_50 = arith.constant 0 : i32
      %lt3A_51 = vector.broadcast %lt3A_50 : i32 to vector<16xi32>
      %lt3A_52 = arith.cmpi slt, %sub3A_49, %lt3A_51 : vector<16xi32>
      %ge3A = arith.constant 5000 : i32
      %ge3A_53 = vector.broadcast %ge3A : i32 to vector<16xi32>
      %ge3A_54 = arith.cmpi sge, %sub3A_49, %ge3A_53 : vector<16xi32>
      %or3A = arith.ori %lt3A_52, %ge3A_54 : vector<16xi1>
      %select_n3A_55 = arith.select %or3A, %add3A_11, %sub3A_49 : vector<16xi1>, vector<16xi32>
      %swap3A = arith.constant 0 : i32
      %swap3A_56 = arith.constant 0 : i32
      %swap3A_57 = tpu.memref_slice %arg9[%swap3A, %swap3A_56] : memref<4x32xi32, #tpu.memory_space<vmem>> -> memref<1x32xi32, #tpu.memory_space<vmem>>
      %swap3A_58 = tpu.memref_squeeze %swap3A_57 : memref<1x32xi32, #tpu.memory_space<vmem>> -> memref<32xi32, #tpu.memory_space<vmem>>
      %swap3A_59 = arith.constant 0 : index
      %swap3A_60 = tpu.vector_load %swap3A_58[%swap3A_59] {strides = array<i32>} : memref<32xi32, #tpu.memory_space<vmem>>, vector<16xi32>,
      tpu.vector_store %swap3A_58[%swap3A_59], %select_n3A_55 {strides = array<i32>} : memref<32xi32, #tpu.memory_space<vmem>>, vector<16xi32>,
      %get3A_61 = arith.constant 0 : i32
      %get3A_62 = tpu.memref_slice %arg8[%select_n3A_42, %get3A_61] : memref<2x128xi32, #tpu.memory_space<vmem>> -> memref<1x128xi32, #tpu.memory_space<vmem>>
      %get3A_63 = tpu.memref_squeeze %get3A_62 : memref<1x128xi32, #tpu.memory_space<vmem>> -> memref<128xi32, #tpu.memory_space<vmem>>
      %get3A_64 = arith.constant 16 : index
      %get3A_65 = tpu.vector_load %get3A_63[%get3A_64] {strides = array<i32>} : memref<128xi32, #tpu.memory_space<vmem>>, vector<16xi32>,
      %sub3A_66 = vector.broadcast %mul3A_13 : i32 to vector<16xi32>
      %sub3A_67 = arith.subi %get3A_65, %sub3A_66 : vector<16xi32>
      %lt3A_68 = arith.constant 0 : i32
      %lt3A_69 = vector.broadcast %lt3A_68 : i32 to vector<16xi32>
      %lt3A_70 = arith.cmpi slt, %sub3A_67, %lt3A_69 : vector<16xi32>
      %ge3A_71 = arith.constant 5000 : i32
      %ge3A_72 = vector.broadcast %ge3A_71 : i32 to vector<16xi32>
      %ge3A_73 = arith.cmpi sge, %sub3A_67, %ge3A_72 : vector<16xi32>
      %or3A_74 = arith.ori %lt3A_70, %ge3A_73 : vector<16xi1>
      %select_n3A_75 = arith.select %or3A_74, %add3A_11, %sub3A_67 : vector<16xi1>, vector<16xi32>
      %swap3A_76 = arith.constant 0 : i32
      %swap3A_77 = arith.constant 0 : i32
      %swap3A_78 = tpu.memref_slice %arg9[%swap3A_76, %swap3A_77] : memref<4x32xi32, #tpu.memory_space<vmem>> -> memref<1x32xi32, #tpu.memory_space<vmem>>
      %swap3A_79 = tpu.memref_squeeze %swap3A_78 : memref<1x32xi32, #tpu.memory_space<vmem>> -> memref<32xi32, #tpu.memory_space<vmem>>
      %swap3A_80 = arith.constant 16 : index
      %swap3A_81 = tpu.vector_load %swap3A_79[%swap3A_80] {strides = array<i32>} : memref<32xi32, #tpu.memory_space<vmem>>, vector<16xi32>,
      tpu.vector_store %swap3A_79[%swap3A_80], %select_n3A_75 {strides = array<i32>} : memref<32xi32, #tpu.memory_space<vmem>>, vector<16xi32>,
      %get3A_82 = arith.constant 0 : i32
      %get3A_83 = tpu.memref_slice %arg8[%select_n3A_42, %get3A_82] : memref<2x128xi32, #tpu.memory_space<vmem>> -> memref<1x128xi32, #tpu.memory_space<vmem>>
      %get3A_84 = tpu.memref_squeeze %get3A_83 : memref<1x128xi32, #tpu.memory_space<vmem>> -> memref<128xi32, #tpu.memory_space<vmem>>
      %get3A_85 = arith.constant 32 : index
      %get3A_86 = tpu.vector_load %get3A_84[%get3A_85] {strides = array<i32>} : memref<128xi32, #tpu.memory_space<vmem>>, vector<16xi32>,
      %sub3A_87 = vector.broadcast %mul3A_13 : i32 to vector<16xi32>
      %sub3A_88 = arith.subi %get3A_86, %sub3A_87 : vector<16xi32>
      %lt3A_89 = arith.constant 0 : i32
      %lt3A_90 = vector.broadcast %lt3A_89 : i32 to vector<16xi32>
      %lt3A_91 = arith.cmpi slt, %sub3A_88, %lt3A_90 : vector<16xi32>
      %ge3A_92 = arith.constant 5000 : i32
      %ge3A_93 = vector.broadcast %ge3A_92 : i32 to vector<16xi32>
      %ge3A_94 = arith.cmpi sge, %sub3A_88, %ge3A_93 : vector<16xi32>
      %or3A_95 = arith.ori %lt3A_91, %ge3A_94 : vector<16xi1>
      %select_n3A_96 = arith.select %or3A_95, %add3A_11, %sub3A_88 : vector<16xi1>, vector<16xi32>
      %swap3A_97 = arith.constant 1 : i32
      %swap3A_98 = arith.constant 0 : i32
      %swap3A_99 = tpu.memref_slice %arg9[%swap3A_97, %swap3A_98] : memref<4x32xi32, #tpu.memory_space<vmem>> -> memref<1x32xi32, #tpu.memory_space<vmem>>
      %swap3A_100 = tpu.memref_squeeze %swap3A_99 : memref<1x32xi32, #tpu.memory_space<vmem>> -> memref<32xi32, #tpu.memory_space<vmem>>
      %swap3A_101 = arith.constant 0 : index
      %swap3A_102 = tpu.vector_load %swap3A_100[%swap3A_101] {strides = array<i32>} : memref<32xi32, #tpu.memory_space<vmem>>, vector<16xi32>,
      tpu.vector_store %swap3A_100[%swap3A_101], %select_n3A_96 {strides = array<i32>} : memref<32xi32, #tpu.memory_space<vmem>>, vector<16xi32>,
      %get3A_103 = arith.constant 0 : i32
      %get3A_104 = tpu.memref_slice %arg8[%select_n3A_42, %get3A_103] : memref<2x128xi32, #tpu.memory_space<vmem>> -> memref<1x128xi32, #tpu.memory_space<vmem>>
      %get3A_105 = tpu.memref_squeeze %get3A_104 : memref<1x128xi32, #tpu.memory_space<vmem>> -> memref<128xi32, #tpu.memory_space<vmem>>
      %get3A_106 = arith.constant 48 : index
      %get3A_107 = tpu.vector_load %get3A_105[%get3A_106] {strides = array<i32>} : memref<128xi32, #tpu.memory_space<vmem>>, vector<16xi32>,
      %sub3A_108 = vector.broadcast %mul3A_13 : i32 to vector<16xi32>
      %sub3A_109 = arith.subi %get3A_107, %sub3A_108 : vector<16xi32>
      %lt3A_110 = arith.constant 0 : i32
      %lt3A_111 = vector.broadcast %lt3A_110 : i32 to vector<16xi32>
      %lt3A_112 = arith.cmpi slt, %sub3A_109, %lt3A_111 : vector<16xi32>
      %ge3A_113 = arith.constant 5000 : i32
      %ge3A_114 = vector.broadcast %ge3A_113 : i32 to vector<16xi32>
      %ge3A_115 = arith.cmpi sge, %sub3A_109, %ge3A_114 : vector<16xi32>
      %or3A_116 = arith.ori %lt3A_112, %ge3A_115 : vector<16xi1>
      %select_n3A_117 = arith.select %or3A_116, %add3A_11, %sub3A_109 : vector<16xi1>, vector<16xi32>
      %swap3A_118 = arith.constant 1 : i32
      %swap3A_119 = arith.constant 0 : i32
      %swap3A_120 = tpu.memref_slice %arg9[%swap3A_118, %swap3A_119] : memref<4x32xi32, #tpu.memory_space<vmem>> -> memref<1x32xi32, #tpu.memory_space<vmem>>
      %swap3A_121 = tpu.memref_squeeze %swap3A_120 : memref<1x32xi32, #tpu.memory_space<vmem>> -> memref<32xi32, #tpu.memory_space<vmem>>
      %swap3A_122 = arith.constant 16 : index
      %swap3A_123 = tpu.vector_load %swap3A_121[%swap3A_122] {strides = array<i32>} : memref<32xi32, #tpu.memory_space<vmem>>, vector<16xi32>,
      tpu.vector_store %swap3A_121[%swap3A_122], %select_n3A_117 {strides = array<i32>} : memref<32xi32, #tpu.memory_space<vmem>>, vector<16xi32>,
      %get3A_124 = arith.constant 0 : i32
      %get3A_125 = tpu.memref_slice %arg8[%select_n3A_42, %get3A_124] : memref<2x128xi32, #tpu.memory_space<vmem>> -> memref<1x128xi32, #tpu.memory_space<vmem>>
      %get3A_126 = tpu.memref_squeeze %get3A_125 : memref<1x128xi32, #tpu.memory_space<vmem>> -> memref<128xi32, #tpu.memory_space<vmem>>
      %get3A_127 = arith.constant 64 : index
      %get3A_128 = tpu.vector_load %get3A_126[%get3A_127] {strides = array<i32>} : memref<128xi32, #tpu.memory_space<vmem>>, vector<16xi32>,
      %sub3A_129 = vector.broadcast %mul3A_13 : i32 to vector<16xi32>
      %sub3A_130 = arith.subi %get3A_128, %sub3A_129 : vector<16xi32>
      %lt3A_131 = arith.constant 0 : i32
      %lt3A_132 = vector.broadcast %lt3A_131 : i32 to vector<16xi32>
      %lt3A_133 = arith.cmpi slt, %sub3A_130, %lt3A_132 : vector<16xi32>
      %ge3A_134 = arith.constant 5000 : i32
      %ge3A_135 = vector.broadcast %ge3A_134 : i32 to vector<16xi32>
      %ge3A_136 = arith.cmpi sge, %sub3A_130, %ge3A_135 : vector<16xi32>
      %or3A_137 = arith.ori %lt3A_133, %ge3A_136 : vector<16xi1>
      %select_n3A_138 = arith.select %or3A_137, %add3A_11, %sub3A_130 : vector<16xi1>, vector<16xi32>
      %swap3A_139 = arith.constant 2 : i32
      %swap3A_140 = arith.constant 0 : i32
      %swap3A_141 = tpu.memref_slice %arg9[%swap3A_139, %swap3A_140] : memref<4x32xi32, #tpu.memory_space<vmem>> -> memref<1x32xi32, #tpu.memory_space<vmem>>
      %swap3A_142 = tpu.memref_squeeze %swap3A_141 : memref<1x32xi32, #tpu.memory_space<vmem>> -> memref<32xi32, #tpu.memory_space<vmem>>
      %swap3A_143 = arith.constant 0 : index
      %swap3A_144 = tpu.vector_load %swap3A_142[%swap3A_143] {strides = array<i32>} : memref<32xi32, #tpu.memory_space<vmem>>, vector<16xi32>,
      tpu.vector_store %swap3A_142[%swap3A_143], %select_n3A_138 {strides = array<i32>} : memref<32xi32, #tpu.memory_space<vmem>>, vector<16xi32>,
      %get3A_145 = arith.constant 0 : i32
      %get3A_146 = tpu.memref_slice %arg8[%select_n3A_42, %get3A_145] : memref<2x128xi32, #tpu.memory_space<vmem>> -> memref<1x128xi32, #tpu.memory_space<vmem>>
      %get3A_147 = tpu.memref_squeeze %get3A_146 : memref<1x128xi32, #tpu.memory_space<vmem>> -> memref<128xi32, #tpu.memory_space<vmem>>
      %get3A_148 = arith.constant 80 : index
      %get3A_149 = tpu.vector_load %get3A_147[%get3A_148] {strides = array<i32>} : memref<128xi32, #tpu.memory_space<vmem>>, vector<16xi32>,
      %sub3A_150 = vector.broadcast %mul3A_13 : i32 to vector<16xi32>
      %sub3A_151 = arith.subi %get3A_149, %sub3A_150 : vector<16xi32>
      %lt3A_152 = arith.constant 0 : i32
      %lt3A_153 = vector.broadcast %lt3A_152 : i32 to vector<16xi32>
      %lt3A_154 = arith.cmpi slt, %sub3A_151, %lt3A_153 : vector<16xi32>
      %ge3A_155 = arith.constant 5000 : i32
      %ge3A_156 = vector.broadcast %ge3A_155 : i32 to vector<16xi32>
      %ge3A_157 = arith.cmpi sge, %sub3A_151, %ge3A_156 : vector<16xi32>
      %or3A_158 = arith.ori %lt3A_154, %ge3A_157 : vector<16xi1>
      %select_n3A_159 = arith.select %or3A_158, %add3A_11, %sub3A_151 : vector<16xi1>, vector<16xi32>
      %swap3A_160 = arith.constant 2 : i32
      %swap3A_161 = arith.constant 0 : i32
      %swap3A_162 = tpu.memref_slice %arg9[%swap3A_160, %swap3A_161] : memref<4x32xi32, #tpu.memory_space<vmem>> -> memref<1x32xi32, #tpu.memory_space<vmem>>
      %swap3A_163 = tpu.memref_squeeze %swap3A_162 : memref<1x32xi32, #tpu.memory_space<vmem>> -> memref<32xi32, #tpu.memory_space<vmem>>
      %swap3A_164 = arith.constant 16 : index
      %swap3A_165 = tpu.vector_load %swap3A_163[%swap3A_164] {strides = array<i32>} : memref<32xi32, #tpu.memory_space<vmem>>, vector<16xi32>,
      tpu.vector_store %swap3A_163[%swap3A_164], %select_n3A_159 {strides = array<i32>} : memref<32xi32, #tpu.memory_space<vmem>>, vector<16xi32>,
      %get3A_166 = arith.constant 0 : i32
      %get3A_167 = tpu.memref_slice %arg8[%select_n3A_42, %get3A_166] : memref<2x128xi32, #tpu.memory_space<vmem>> -> memref<1x128xi32, #tpu.memory_space<vmem>>
      %get3A_168 = tpu.memref_squeeze %get3A_167 : memref<1x128xi32, #tpu.memory_space<vmem>> -> memref<128xi32, #tpu.memory_space<vmem>>
      %get3A_169 = arith.constant 96 : index
      %get3A_170 = tpu.vector_load %get3A_168[%get3A_169] {strides = array<i32>} : memref<128xi32, #tpu.memory_space<vmem>>, vector<16xi32>,
      %sub3A_171 = vector.broadcast %mul3A_13 : i32 to vector<16xi32>
      %sub3A_172 = arith.subi %get3A_170, %sub3A_171 : vector<16xi32>
      %lt3A_173 = arith.constant 0 : i32
      %lt3A_174 = vector.broadcast %lt3A_173 : i32 to vector<16xi32>
      %lt3A_175 = arith.cmpi slt, %sub3A_172, %lt3A_174 : vector<16xi32>
      %ge3A_176 = arith.constant 5000 : i32
      %ge3A_177 = vector.broadcast %ge3A_176 : i32 to vector<16xi32>
      %ge3A_178 = arith.cmpi sge, %sub3A_172, %ge3A_177 : vector<16xi32>
      %or3A_179 = arith.ori %lt3A_175, %ge3A_178 : vector<16xi1>
      %select_n3A_180 = arith.select %or3A_179, %add3A_11, %sub3A_172 : vector<16xi1>, vector<16xi32>
      %swap3A_181 = arith.constant 3 : i32
      %swap3A_182 = arith.constant 0 : i32
      %swap3A_183 = tpu.memref_slice %arg9[%swap3A_181, %swap3A_182] : memref<4x32xi32, #tpu.memory_space<vmem>> -> memref<1x32xi32, #tpu.memory_space<vmem>>
      %swap3A_184 = tpu.memref_squeeze %swap3A_183 : memref<1x32xi32, #tpu.memory_space<vmem>> -> memref<32xi32, #tpu.memory_space<vmem>>
      %swap3A_185 = arith.constant 0 : index
      %swap3A_186 = tpu.vector_load %swap3A_184[%swap3A_185] {strides = array<i32>} : memref<32xi32, #tpu.memory_space<vmem>>, vector<16xi32>,
      tpu.vector_store %swap3A_184[%swap3A_185], %select_n3A_180 {strides = array<i32>} : memref<32xi32, #tpu.memory_space<vmem>>, vector<16xi32>,
      %get3A_187 = arith.constant 0 : i32
      %get3A_188 = tpu.memref_slice %arg8[%select_n3A_42, %get3A_187] : memref<2x128xi32, #tpu.memory_space<vmem>> -> memref<1x128xi32, #tpu.memory_space<vmem>>
      %get3A_189 = tpu.memref_squeeze %get3A_188 : memref<1x128xi32, #tpu.memory_space<vmem>> -> memref<128xi32, #tpu.memory_space<vmem>>
      %get3A_190 = arith.constant 112 : index
      %get3A_191 = tpu.vector_load %get3A_189[%get3A_190] {strides = array<i32>} : memref<128xi32, #tpu.memory_space<vmem>>, vector<16xi32>,
      %sub3A_192 = vector.broadcast %mul3A_13 : i32 to vector<16xi32>
      %sub3A_193 = arith.subi %get3A_191, %sub3A_192 : vector<16xi32>
      %lt3A_194 = arith.constant 0 : i32
      %lt3A_195 = vector.broadcast %lt3A_194 : i32 to vector<16xi32>
      %lt3A_196 = arith.cmpi slt, %sub3A_193, %lt3A_195 : vector<16xi32>
      %ge3A_197 = arith.constant 5000 : i32
      %ge3A_198 = vector.broadcast %ge3A_197 : i32 to vector<16xi32>
      %ge3A_199 = arith.cmpi sge, %sub3A_193, %ge3A_198 : vector<16xi32>
      %or3A_200 = arith.ori %lt3A_196, %ge3A_199 : vector<16xi1>
      %select_n3A_201 = arith.select %or3A_200, %add3A_11, %sub3A_193 : vector<16xi1>, vector<16xi32>
      %swap3A_202 = arith.constant 3 : i32
      %swap3A_203 = arith.constant 0 : i32
      %swap3A_204 = tpu.memref_slice %arg9[%swap3A_202, %swap3A_203] : memref<4x32xi32, #tpu.memory_space<vmem>> -> memref<1x32xi32, #tpu.memory_space<vmem>>
      %swap3A_205 = tpu.memref_squeeze %swap3A_204 : memref<1x32xi32, #tpu.memory_space<vmem>> -> memref<32xi32, #tpu.memory_space<vmem>>
      %swap3A_206 = arith.constant 16 : index
      %swap3A_207 = tpu.vector_load %swap3A_205[%swap3A_206] {strides = array<i32>} : memref<32xi32, #tpu.memory_space<vmem>>, vector<16xi32>,
      tpu.vector_store %swap3A_205[%swap3A_206], %select_n3A_201 {strides = array<i32>} : memref<32xi32, #tpu.memory_space<vmem>>, vector<16xi32>,
      %add3A_208 = arith.constant 1 : i32
      %add3A_209 = arith.addi %scan3A_31, %add3A_208 : i32
      %lt3A_210 = arith.constant 160 : i32
      %lt3A_211 = arith.cmpi slt, %add3A_209, %lt3A_210 : i32
      %convert_element_type3A_212 = arith.extui %lt3A_211 : i1 to i32
      %cond3A_213 = arith.constant 0 : i32
      %cond3A_214 = arith.cmpi ne, %convert_element_type3A_212, %cond3A_213 : i32
      scf.if %cond3A_214 {
        %add3A_267 = arith.constant 1 : i32
        %add3A_268 = arith.addi %scan3A_31, %add3A_267 : i32
        %dma_start3A_269 = arith.constant 0 : i32
        %dma_start3A_270 = tpu.memref_slice %arg7[%sub3A_43, %dma_start3A_269] : memref<2x128xi32, #tpu.memory_space<vmem>> -> memref<1x128xi32, #tpu.memory_space<vmem>>
        %dma_start3A_271 = tpu.memref_squeeze %dma_start3A_270 : memref<1x128xi32, #tpu.memory_space<vmem>> -> memref<128xi32, #tpu.memory_space<vmem>>
        %dma_start3A_272 = arith.constant 0 : i32
        %dma_start3A_273 = tpu.memref_slice %arg3[%arg1, %add3A_268, %dma_start3A_272] : memref<16x160x128xi32, #tpu.memory_space<hbm>> -> memref<1x1x128xi32, #tpu.memory_space<hbm>>
        %dma_start3A_274 = tpu.memref_squeeze %dma_start3A_273 : memref<1x1x128xi32, #tpu.memory_space<hbm>> -> memref<128xi32, #tpu.memory_space<hbm>>
        %dma_start3A_275 = arith.constant 0 : i32
        %dma_start3A_276 = tpu.memref_slice %arg7[%sub3A_43, %dma_start3A_275] : memref<2x128xi32, #tpu.memory_space<vmem>> -> memref<1x128xi32, #tpu.memory_space<vmem>>
        %dma_start3A_277 = tpu.memref_squeeze %dma_start3A_276 : memref<1x128xi32, #tpu.memory_space<vmem>> -> memref<128xi32, #tpu.memory_space<vmem>>
        %dma_start3A_278 = arith.constant 0 : i32
        %dma_start3A_279 = tpu.memref_slice %arg3[%arg1, %add3A_268, %dma_start3A_278] : memref<16x160x128xi32, #tpu.memory_space<hbm>> -> memref<1x1x128xi32, #tpu.memory_space<hbm>>
        %dma_start3A_280 = tpu.memref_squeeze %dma_start3A_279 : memref<1x1x128xi32, #tpu.memory_space<hbm>> -> memref<128xi32, #tpu.memory_space<hbm>>
        tpu.enqueue_dma source(%dma_start3A_280 : memref<128xi32, #tpu.memory_space<hbm>>) target(%dma_start3A_277 : memref<128xi32, #tpu.memory_space<vmem>>) target_semaphore(%arg16 : memref<!tpu.dma_semaphore, #tpu.memory_space<semaphore_mem>>)
        %add3A_281 = arith.constant 1 : i32
        %add3A_282 = arith.addi %scan3A_31, %add3A_281 : i32
        %dma_start3A_283 = arith.constant 0 : i32
        %dma_start3A_284 = tpu.memref_slice %arg8[%sub3A_43, %dma_start3A_283] : memref<2x128xi32, #tpu.memory_space<vmem>> -> memref<1x128xi32, #tpu.memory_space<vmem>>
        %dma_start3A_285 = tpu.memref_squeeze %dma_start3A_284 : memref<1x128xi32, #tpu.memory_space<vmem>> -> memref<128xi32, #tpu.memory_space<vmem>>
        %dma_start3A_286 = arith.constant 0 : i32
        %dma_start3A_287 = tpu.memref_slice %arg4[%arg1, %add3A_282, %dma_start3A_286] : memref<16x160x128xi32, #tpu.memory_space<hbm>> -> memref<1x1x128xi32, #tpu.memory_space<hbm>>
        %dma_start3A_288 = tpu.memref_squeeze %dma_start3A_287 : memref<1x1x128xi32, #tpu.memory_space<hbm>> -> memref<128xi32, #tpu.memory_space<hbm>>
        %dma_start3A_289 = arith.constant 0 : i32
        %dma_start3A_290 = tpu.memref_slice %arg8[%sub3A_43, %dma_start3A_289] : memref<2x128xi32, #tpu.memory_space<vmem>> -> memref<1x128xi32, #tpu.memory_space<vmem>>
        %dma_start3A_291 = tpu.memref_squeeze %dma_start3A_290 : memref<1x128xi32, #tpu.memory_space<vmem>> -> memref<128xi32, #tpu.memory_space<vmem>>
        %dma_start3A_292 = arith.constant 0 : i32
        %dma_start3A_293 = tpu.memref_slice %arg4[%arg1, %add3A_282, %dma_start3A_292] : memref<16x160x128xi32, #tpu.memory_space<hbm>> -> memref<1x1x128xi32, #tpu.memory_space<hbm>>
        %dma_start3A_294 = tpu.memref_squeeze %dma_start3A_293 : memref<1x1x128xi32, #tpu.memory_space<hbm>> -> memref<128xi32, #tpu.memory_space<hbm>>
        tpu.enqueue_dma source(%dma_start3A_294 : memref<128xi32, #tpu.memory_space<hbm>>) target(%dma_start3A_291 : memref<128xi32, #tpu.memory_space<vmem>>) target_semaphore(%arg16 : memref<!tpu.dma_semaphore, #tpu.memory_space<semaphore_mem>>)
      } else {
      }
      %dma_start3A_215 = arith.constant 32 : i32
      %dma_start3A_216 = tpu.memref_slice %arg7[%select_n3A_42, %dma_start3A_215] : memref<2x128xi32, #tpu.memory_space<vmem>> -> memref<1x32xi32, #tpu.memory_space<vmem>>
      %dma_start3A_217 = tpu.memref_squeeze %dma_start3A_216 : memref<1x32xi32, #tpu.memory_space<vmem>> -> memref<32xi32, #tpu.memory_space<vmem>>
      %dma_start3A_218 = arith.constant 0 : i32
      %dma_start3A_219 = arith.constant 0 : i32
      %dma_start3A_220 = tpu.memref_slice %arg12[%dma_start3A_218, %dma_start3A_219] : memref<10112x128xf32, #tpu.memory_space<vmem_shared>> -> memref<10112x128xf32, #tpu.memory_space<vmem_shared>>
      tpu.enqueue_indirect_dma source(%dma_start3A_220 : memref<10112x128xf32, #tpu.memory_space<vmem_shared>>) target(%arg11 : memref<32x128xf32, #tpu.memory_space<vmem>>) offsets(%dma_start3A_217 : memref<32xi32, #tpu.memory_space<vmem>>) semaphore(%arg15 : memref<!tpu.dma_semaphore, #tpu.memory_space<semaphore_mem>>)
      %dma_wait3A = arith.constant 0 : i32
      %dma_wait3A_221 = arith.constant 0 : i32
      %dma_wait3A_222 = tpu.memref_slice %arg12[%dma_wait3A, %dma_wait3A_221] : memref<10112x128xf32, #tpu.memory_space<vmem_shared>> -> memref<32x128xf32, #tpu.memory_space<vmem_shared>>
      %dma_wait3A_223 = arith.constant 0 : i32
      %dma_wait3A_224 = arith.constant 0 : i32
      %dma_wait3A_225 = tpu.memref_slice %arg12[%dma_wait3A_223, %dma_wait3A_224] : memref<10112x128xf32, #tpu.memory_space<vmem_shared>> -> memref<32x128xf32, #tpu.memory_space<vmem_shared>>
      tpu.wait_dma2 semaphore(%arg14 : memref<!tpu.dma_semaphore, #tpu.memory_space<semaphore_mem>>) src(%dma_wait3A_225 : memref<32x128xf32, #tpu.memory_space<vmem_shared>>) dst(%arg10 : memref<32x128xf32, #tpu.memory_space<vmem>>)
      %run_scoped3A_226 = arith.constant 0 : i32
      "tpu.region"() ({
        %run_scoped3A_267 = tpu.sem_alloc : memref<!tpu.dma_semaphore, #tpu.memory_space<semaphore_mem>>
        %dma_start3A_268 = arith.constant 0 : i32
        %dma_start3A_269 = tpu.memref_slice %arg9[%run_scoped3A_226, %dma_start3A_268] : memref<4x32xi32, #tpu.memory_space<vmem>> -> memref<1x32xi32, #tpu.memory_space<vmem>>
        %dma_start3A_270 = tpu.memref_squeeze %dma_start3A_269 : memref<1x32xi32, #tpu.memory_space<vmem>> -> memref<32xi32, #tpu.memory_space<vmem>>
        %dma_start3A_271 = arith.constant 0 : i32
        %dma_start3A_272 = arith.constant 0 : i32
        %dma_start3A_273 = tpu.memref_slice %arg13[%dma_start3A_271, %dma_start3A_272] : memref<5056x128xf32, #tpu.memory_space<vmem_shared>> -> memref<5056x128xf32, #tpu.memory_space<vmem_shared>>
        tpu.enqueue_indirect_dma source(%arg10 : memref<32x128xf32, #tpu.memory_space<vmem>>) target(%dma_start3A_273 : memref<5056x128xf32, #tpu.memory_space<vmem_shared>>) offsets(%dma_start3A_270 : memref<32xi32, #tpu.memory_space<vmem>>) semaphore(%run_scoped3A_267 : memref<!tpu.dma_semaphore, #tpu.memory_space<semaphore_mem>>) {add = true}
        %dma_wait3A_274 = arith.constant 0 : i32
        %dma_wait3A_275 = tpu.memref_slice %arg9[%run_scoped3A_226, %dma_wait3A_274] : memref<4x32xi32, #tpu.memory_space<vmem>> -> memref<1x32xi32, #tpu.memory_space<vmem>>
        %dma_wait3A_276 = tpu.memref_squeeze %dma_wait3A_275 : memref<1x32xi32, #tpu.memory_space<vmem>> -> memref<32xi32, #tpu.memory_space<vmem>>
        %dma_wait3A_277 = arith.constant 0 : i32
        %dma_wait3A_278 = arith.constant 0 : i32
        %dma_wait3A_279 = tpu.memref_slice %arg13[%dma_wait3A_277, %dma_wait3A_278] : memref<5056x128xf32, #tpu.memory_space<vmem_shared>> -> memref<5056x128xf32, #tpu.memory_space<vmem_shared>>
        tpu.wait_indirect_dma semaphore(%run_scoped3A_267 : memref<!tpu.dma_semaphore, #tpu.memory_space<semaphore_mem>>) src(%arg10 : memref<32x128xf32, #tpu.memory_space<vmem>>) dst(%dma_wait3A_279 : memref<5056x128xf32, #tpu.memory_space<vmem_shared>>)
        tpu.yield
      }) : () -> ()
      %dma_start3A_227 = arith.constant 64 : i32
      %dma_start3A_228 = tpu.memref_slice %arg7[%select_n3A_42, %dma_start3A_227] : memref<2x128xi32, #tpu.memory_space<vmem>> -> memref<1x32xi32, #tpu.memory_space<vmem>>
      %dma_start3A_229 = tpu.memref_squeeze %dma_start3A_228 : memref<1x32xi32, #tpu.memory_space<vmem>> -> memref<32xi32, #tpu.memory_space<vmem>>
      %dma_start3A_230 = arith.constant 0 : i32
      %dma_start3A_231 = arith.constant 0 : i32
      %dma_start3A_232 = tpu.memref_slice %arg12[%dma_start3A_230, %dma_start3A_231] : memref<10112x128xf32, #tpu.memory_space<vmem_shared>> -> memref<10112x128xf32, #tpu.memory_space<vmem_shared>>
      tpu.enqueue_indirect_dma source(%dma_start3A_232 : memref<10112x128xf32, #tpu.memory_space<vmem_shared>>) target(%arg10 : memref<32x128xf32, #tpu.memory_space<vmem>>) offsets(%dma_start3A_229 : memref<32xi32, #tpu.memory_space<vmem>>) semaphore(%arg14 : memref<!tpu.dma_semaphore, #tpu.memory_space<semaphore_mem>>)
      %dma_wait3A_233 = arith.constant 0 : i32
      %dma_wait3A_234 = arith.constant 0 : i32
      %dma_wait3A_235 = tpu.memref_slice %arg12[%dma_wait3A_233, %dma_wait3A_234] : memref<10112x128xf32, #tpu.memory_space<vmem_shared>> -> memref<32x128xf32, #tpu.memory_space<vmem_shared>>
      %dma_wait3A_236 = arith.constant 0 : i32
      %dma_wait3A_237 = arith.constant 0 : i32
      %dma_wait3A_238 = tpu.memref_slice %arg12[%dma_wait3A_236, %dma_wait3A_237] : memref<10112x128xf32, #tpu.memory_space<vmem_shared>> -> memref<32x128xf32, #tpu.memory_space<vmem_shared>>
      tpu.wait_dma2 semaphore(%arg15 : memref<!tpu.dma_semaphore, #tpu.memory_space<semaphore_mem>>) src(%dma_wait3A_238 : memref<32x128xf32, #tpu.memory_space<vmem_shared>>) dst(%arg11 : memref<32x128xf32, #tpu.memory_space<vmem>>)
      %run_scoped3A_239 = arith.constant 1 : i32
      "tpu.region"() ({
        %run_scoped3A_267 = tpu.sem_alloc : memref<!tpu.dma_semaphore, #tpu.memory_space<semaphore_mem>>
        %dma_start3A_268 = arith.constant 0 : i32
        %dma_start3A_269 = tpu.memref_slice %arg9[%run_scoped3A_239, %dma_start3A_268] : memref<4x32xi32, #tpu.memory_space<vmem>> -> memref<1x32xi32, #tpu.memory_space<vmem>>
        %dma_start3A_270 = tpu.memref_squeeze %dma_start3A_269 : memref<1x32xi32, #tpu.memory_space<vmem>> -> memref<32xi32, #tpu.memory_space<vmem>>
        %dma_start3A_271 = arith.constant 0 : i32
        %dma_start3A_272 = arith.constant 0 : i32
        %dma_start3A_273 = tpu.memref_slice %arg13[%dma_start3A_271, %dma_start3A_272] : memref<5056x128xf32, #tpu.memory_space<vmem_shared>> -> memref<5056x128xf32, #tpu.memory_space<vmem_shared>>
        tpu.enqueue_indirect_dma source(%arg11 : memref<32x128xf32, #tpu.memory_space<vmem>>) target(%dma_start3A_273 : memref<5056x128xf32, #tpu.memory_space<vmem_shared>>) offsets(%dma_start3A_270 : memref<32xi32, #tpu.memory_space<vmem>>) semaphore(%run_scoped3A_267 : memref<!tpu.dma_semaphore, #tpu.memory_space<semaphore_mem>>) {add = true}
        %dma_wait3A_274 = arith.constant 0 : i32
        %dma_wait3A_275 = tpu.memref_slice %arg9[%run_scoped3A_239, %dma_wait3A_274] : memref<4x32xi32, #tpu.memory_space<vmem>> -> memref<1x32xi32, #tpu.memory_space<vmem>>
        %dma_wait3A_276 = tpu.memref_squeeze %dma_wait3A_275 : memref<1x32xi32, #tpu.memory_space<vmem>> -> memref<32xi32, #tpu.memory_space<vmem>>
        %dma_wait3A_277 = arith.constant 0 : i32
        %dma_wait3A_278 = arith.constant 0 : i32
        %dma_wait3A_279 = tpu.memref_slice %arg13[%dma_wait3A_277, %dma_wait3A_278] : memref<5056x128xf32, #tpu.memory_space<vmem_shared>> -> memref<5056x128xf32, #tpu.memory_space<vmem_shared>>
        tpu.wait_indirect_dma semaphore(%run_scoped3A_267 : memref<!tpu.dma_semaphore, #tpu.memory_space<semaphore_mem>>) src(%arg11 : memref<32x128xf32, #tpu.memory_space<vmem>>) dst(%dma_wait3A_279 : memref<5056x128xf32, #tpu.memory_space<vmem_shared>>)
        tpu.yield
      }) : () -> ()
      %dma_start3A_240 = arith.constant 96 : i32
      %dma_start3A_241 = tpu.memref_slice %arg7[%select_n3A_42, %dma_start3A_240] : memref<2x128xi32, #tpu.memory_space<vmem>> -> memref<1x32xi32, #tpu.memory_space<vmem>>
      %dma_start3A_242 = tpu.memref_squeeze %dma_start3A_241 : memref<1x32xi32, #tpu.memory_space<vmem>> -> memref<32xi32, #tpu.memory_space<vmem>>
      %dma_start3A_243 = arith.constant 0 : i32
      %dma_start3A_244 = arith.constant 0 : i32
      %dma_start3A_245 = tpu.memref_slice %arg12[%dma_start3A_243, %dma_start3A_244] : memref<10112x128xf32, #tpu.memory_space<vmem_shared>> -> memref<10112x128xf32, #tpu.memory_space<vmem_shared>>
      tpu.enqueue_indirect_dma source(%dma_start3A_245 : memref<10112x128xf32, #tpu.memory_space<vmem_shared>>) target(%arg11 : memref<32x128xf32, #tpu.memory_space<vmem>>) offsets(%dma_start3A_242 : memref<32xi32, #tpu.memory_space<vmem>>) semaphore(%arg15 : memref<!tpu.dma_semaphore, #tpu.memory_space<semaphore_mem>>)
      %dma_wait3A_246 = arith.constant 0 : i32
      %dma_wait3A_247 = arith.constant 0 : i32
      %dma_wait3A_248 = tpu.memref_slice %arg12[%dma_wait3A_246, %dma_wait3A_247] : memref<10112x128xf32, #tpu.memory_space<vmem_shared>> -> memref<32x128xf32, #tpu.memory_space<vmem_shared>>
      %dma_wait3A_249 = arith.constant 0 : i32
      %dma_wait3A_250 = arith.constant 0 : i32
      %dma_wait3A_251 = tpu.memref_slice %arg12[%dma_wait3A_249, %dma_wait3A_250] : memref<10112x128xf32, #tpu.memory_space<vmem_shared>> -> memref<32x128xf32, #tpu.memory_space<vmem_shared>>
      tpu.wait_dma2 semaphore(%arg14 : memref<!tpu.dma_semaphore, #tpu.memory_space<semaphore_mem>>) src(%dma_wait3A_251 : memref<32x128xf32, #tpu.memory_space<vmem_shared>>) dst(%arg10 : memref<32x128xf32, #tpu.memory_space<vmem>>)
      %run_scoped3A_252 = arith.constant 2 : i32
      "tpu.region"() ({
        %run_scoped3A_267 = tpu.sem_alloc : memref<!tpu.dma_semaphore, #tpu.memory_space<semaphore_mem>>
        %dma_start3A_268 = arith.constant 0 : i32
        %dma_start3A_269 = tpu.memref_slice %arg9[%run_scoped3A_252, %dma_start3A_268] : memref<4x32xi32, #tpu.memory_space<vmem>> -> memref<1x32xi32, #tpu.memory_space<vmem>>
        %dma_start3A_270 = tpu.memref_squeeze %dma_start3A_269 : memref<1x32xi32, #tpu.memory_space<vmem>> -> memref<32xi32, #tpu.memory_space<vmem>>
        %dma_start3A_271 = arith.constant 0 : i32
        %dma_start3A_272 = arith.constant 0 : i32
        %dma_start3A_273 = tpu.memref_slice %arg13[%dma_start3A_271, %dma_start3A_272] : memref<5056x128xf32, #tpu.memory_space<vmem_shared>> -> memref<5056x128xf32, #tpu.memory_space<vmem_shared>>
        tpu.enqueue_indirect_dma source(%arg10 : memref<32x128xf32, #tpu.memory_space<vmem>>) target(%dma_start3A_273 : memref<5056x128xf32, #tpu.memory_space<vmem_shared>>) offsets(%dma_start3A_270 : memref<32xi32, #tpu.memory_space<vmem>>) semaphore(%run_scoped3A_267 : memref<!tpu.dma_semaphore, #tpu.memory_space<semaphore_mem>>) {add = true}
        %dma_wait3A_274 = arith.constant 0 : i32
        %dma_wait3A_275 = tpu.memref_slice %arg9[%run_scoped3A_252, %dma_wait3A_274] : memref<4x32xi32, #tpu.memory_space<vmem>> -> memref<1x32xi32, #tpu.memory_space<vmem>>
        %dma_wait3A_276 = tpu.memref_squeeze %dma_wait3A_275 : memref<1x32xi32, #tpu.memory_space<vmem>> -> memref<32xi32, #tpu.memory_space<vmem>>
        %dma_wait3A_277 = arith.constant 0 : i32
        %dma_wait3A_278 = arith.constant 0 : i32
        %dma_wait3A_279 = tpu.memref_slice %arg13[%dma_wait3A_277, %dma_wait3A_278] : memref<5056x128xf32, #tpu.memory_space<vmem_shared>> -> memref<5056x128xf32, #tpu.memory_space<vmem_shared>>
        tpu.wait_indirect_dma semaphore(%run_scoped3A_267 : memref<!tpu.dma_semaphore, #tpu.memory_space<semaphore_mem>>) src(%arg10 : memref<32x128xf32, #tpu.memory_space<vmem>>) dst(%dma_wait3A_279 : memref<5056x128xf32, #tpu.memory_space<vmem_shared>>)
        tpu.yield
      }) : () -> ()
      %add3A_253 = arith.constant 1 : i32
      %add3A_254 = arith.addi %scan3A_31, %add3A_253 : i32
      %lt3A_255 = arith.constant 160 : i32
      %lt3A_256 = arith.cmpi slt, %add3A_254, %lt3A_255 : i32
      %convert_element_type3A_257 = arith.extui %lt3A_256 : i1 to i32
      %cond3A_258 = arith.constant 0 : i32
      %cond3A_259 = arith.cmpi ne, %convert_element_type3A_257, %cond3A_258 : i32
      scf.if %cond3A_259 {
        %add3A_267 = arith.constant 1 : i32
        %add3A_268 = arith.addi %scan3A_31, %add3A_267 : i32
        %dma_wait3A_269 = arith.constant 0 : i32
        %dma_wait3A_270 = tpu.memref_slice %arg7[%sub3A_43, %dma_wait3A_269] : memref<2x128xi32, #tpu.memory_space<vmem>> -> memref<1x128xi32, #tpu.memory_space<vmem>>
        %dma_wait3A_271 = tpu.memref_squeeze %dma_wait3A_270 : memref<1x128xi32, #tpu.memory_space<vmem>> -> memref<128xi32, #tpu.memory_space<vmem>>
        %dma_wait3A_272 = arith.constant 0 : i32
        %dma_wait3A_273 = tpu.memref_slice %arg3[%arg1, %add3A_268, %dma_wait3A_272] : memref<16x160x128xi32, #tpu.memory_space<hbm>> -> memref<1x1x128xi32, #tpu.memory_space<hbm>>
        %dma_wait3A_274 = tpu.memref_squeeze %dma_wait3A_273 : memref<1x1x128xi32, #tpu.memory_space<hbm>> -> memref<128xi32, #tpu.memory_space<hbm>>
        %dma_wait3A_275 = arith.constant 0 : i32
        %dma_wait3A_276 = tpu.memref_slice %arg7[%sub3A_43, %dma_wait3A_275] : memref<2x128xi32, #tpu.memory_space<vmem>> -> memref<1x128xi32, #tpu.memory_space<vmem>>
        %dma_wait3A_277 = tpu.memref_squeeze %dma_wait3A_276 : memref<1x128xi32, #tpu.memory_space<vmem>> -> memref<128xi32, #tpu.memory_space<vmem>>
        %dma_wait3A_278 = arith.constant 0 : i32
        %dma_wait3A_279 = tpu.memref_slice %arg3[%arg1, %add3A_268, %dma_wait3A_278] : memref<16x160x128xi32, #tpu.memory_space<hbm>> -> memref<1x1x128xi32, #tpu.memory_space<hbm>>
        %dma_wait3A_280 = tpu.memref_squeeze %dma_wait3A_279 : memref<1x1x128xi32, #tpu.memory_space<hbm>> -> memref<128xi32, #tpu.memory_space<hbm>>
        tpu.wait_dma2 semaphore(%arg16 : memref<!tpu.dma_semaphore, #tpu.memory_space<semaphore_mem>>) src(%dma_wait3A_280 : memref<128xi32, #tpu.memory_space<hbm>>) dst(%dma_wait3A_277 : memref<128xi32, #tpu.memory_space<vmem>>)
        %dma_wait3A_281 = arith.constant 0 : i32
        %dma_wait3A_282 = tpu.memref_slice %arg8[%sub3A_43, %dma_wait3A_281] : memref<2x128xi32, #tpu.memory_space<vmem>> -> memref<1x128xi32, #tpu.memory_space<vmem>>
        %dma_wait3A_283 = tpu.memref_squeeze %dma_wait3A_282 : memref<1x128xi32, #tpu.memory_space<vmem>> -> memref<128xi32, #tpu.memory_space<vmem>>
        %dma_wait3A_284 = arith.constant 0 : i32
        %dma_wait3A_285 = tpu.memref_slice %arg4[%arg1, %add3A_268, %dma_wait3A_284] : memref<16x160x128xi32, #tpu.memory_space<hbm>> -> memref<1x1x128xi32, #tpu.memory_space<hbm>>
        %dma_wait3A_286 = tpu.memref_squeeze %dma_wait3A_285 : memref<1x1x128xi32, #tpu.memory_space<hbm>> -> memref<128xi32, #tpu.memory_space<hbm>>
        %dma_wait3A_287 = arith.constant 0 : i32
        %dma_wait3A_288 = tpu.memref_slice %arg8[%sub3A_43, %dma_wait3A_287] : memref<2x128xi32, #tpu.memory_space<vmem>> -> memref<1x128xi32, #tpu.memory_space<vmem>>
        %dma_wait3A_289 = tpu.memref_squeeze %dma_wait3A_288 : memref<1x128xi32, #tpu.memory_space<vmem>> -> memref<128xi32, #tpu.memory_space<vmem>>
        %dma_wait3A_290 = arith.constant 0 : i32
        %dma_wait3A_291 = tpu.memref_slice %arg4[%arg1, %add3A_268, %dma_wait3A_290] : memref<16x160x128xi32, #tpu.memory_space<hbm>> -> memref<1x1x128xi32, #tpu.memory_space<hbm>>
        %dma_wait3A_292 = tpu.memref_squeeze %dma_wait3A_291 : memref<1x1x128xi32, #tpu.memory_space<hbm>> -> memref<128xi32, #tpu.memory_space<hbm>>
        tpu.wait_dma2 semaphore(%arg16 : memref<!tpu.dma_semaphore, #tpu.memory_space<semaphore_mem>>) src(%dma_wait3A_292 : memref<128xi32, #tpu.memory_space<hbm>>) dst(%dma_wait3A_289 : memref<128xi32, #tpu.memory_space<vmem>>)
        %dma_start3A_293 = arith.constant 0 : i32
        %dma_start3A_294 = tpu.memref_slice %arg7[%sub3A_43, %dma_start3A_293] : memref<2x128xi32, #tpu.memory_space<vmem>> -> memref<1x32xi32, #tpu.memory_space<vmem>>
        %dma_start3A_295 = tpu.memref_squeeze %dma_start3A_294 : memref<1x32xi32, #tpu.memory_space<vmem>> -> memref<32xi32, #tpu.memory_space<vmem>>
        %dma_start3A_296 = arith.constant 0 : i32
        %dma_start3A_297 = arith.constant 0 : i32
        %dma_start3A_298 = tpu.memref_slice %arg12[%dma_start3A_296, %dma_start3A_297] : memref<10112x128xf32, #tpu.memory_space<vmem_shared>> -> memref<10112x128xf32, #tpu.memory_space<vmem_shared>>
        tpu.enqueue_indirect_dma source(%dma_start3A_298 : memref<10112x128xf32, #tpu.memory_space<vmem_shared>>) target(%arg10 : memref<32x128xf32, #tpu.memory_space<vmem>>) offsets(%dma_start3A_295 : memref<32xi32, #tpu.memory_space<vmem>>) semaphore(%arg14 : memref<!tpu.dma_semaphore, #tpu.memory_space<semaphore_mem>>)
      } else {
      }
      %dma_wait3A_260 = arith.constant 0 : i32
      %dma_wait3A_261 = arith.constant 0 : i32
      %dma_wait3A_262 = tpu.memref_slice %arg12[%dma_wait3A_260, %dma_wait3A_261] : memref<10112x128xf32, #tpu.memory_space<vmem_shared>> -> memref<32x128xf32, #tpu.memory_space<vmem_shared>>
      %dma_wait3A_263 = arith.constant 0 : i32
      %dma_wait3A_264 = arith.constant 0 : i32
      %dma_wait3A_265 = tpu.memref_slice %arg12[%dma_wait3A_263, %dma_wait3A_264] : memref<10112x128xf32, #tpu.memory_space<vmem_shared>> -> memref<32x128xf32, #tpu.memory_space<vmem_shared>>
      tpu.wait_dma2 semaphore(%arg15 : memref<!tpu.dma_semaphore, #tpu.memory_space<semaphore_mem>>) src(%dma_wait3A_265 : memref<32x128xf32, #tpu.memory_space<vmem_shared>>) dst(%arg11 : memref<32x128xf32, #tpu.memory_space<vmem>>)
      %run_scoped3A_266 = arith.constant 3 : i32
      "tpu.region"() ({
        %run_scoped3A_267 = tpu.sem_alloc : memref<!tpu.dma_semaphore, #tpu.memory_space<semaphore_mem>>
        %dma_start3A_268 = arith.constant 0 : i32
        %dma_start3A_269 = tpu.memref_slice %arg9[%run_scoped3A_266, %dma_start3A_268] : memref<4x32xi32, #tpu.memory_space<vmem>> -> memref<1x32xi32, #tpu.memory_space<vmem>>
        %dma_start3A_270 = tpu.memref_squeeze %dma_start3A_269 : memref<1x32xi32, #tpu.memory_space<vmem>> -> memref<32xi32, #tpu.memory_space<vmem>>
        %dma_start3A_271 = arith.constant 0 : i32
        %dma_start3A_272 = arith.constant 0 : i32
        %dma_start3A_273 = tpu.memref_slice %arg13[%dma_start3A_271, %dma_start3A_272] : memref<5056x128xf32, #tpu.memory_space<vmem_shared>> -> memref<5056x128xf32, #tpu.memory_space<vmem_shared>>
        tpu.enqueue_indirect_dma source(%arg11 : memref<32x128xf32, #tpu.memory_space<vmem>>) target(%dma_start3A_273 : memref<5056x128xf32, #tpu.memory_space<vmem_shared>>) offsets(%dma_start3A_270 : memref<32xi32, #tpu.memory_space<vmem>>) semaphore(%run_scoped3A_267 : memref<!tpu.dma_semaphore, #tpu.memory_space<semaphore_mem>>) {add = true}
        %dma_wait3A_274 = arith.constant 0 : i32
        %dma_wait3A_275 = tpu.memref_slice %arg9[%run_scoped3A_266, %dma_wait3A_274] : memref<4x32xi32, #tpu.memory_space<vmem>> -> memref<1x32xi32, #tpu.memory_space<vmem>>
        %dma_wait3A_276 = tpu.memref_squeeze %dma_wait3A_275 : memref<1x32xi32, #tpu.memory_space<vmem>> -> memref<32xi32, #tpu.memory_space<vmem>>
        %dma_wait3A_277 = arith.constant 0 : i32
        %dma_wait3A_278 = arith.constant 0 : i32
        %dma_wait3A_279 = tpu.memref_slice %arg13[%dma_wait3A_277, %dma_wait3A_278] : memref<5056x128xf32, #tpu.memory_space<vmem_shared>> -> memref<5056x128xf32, #tpu.memory_space<vmem_shared>>
        tpu.wait_indirect_dma semaphore(%run_scoped3A_267 : memref<!tpu.dma_semaphore, #tpu.memory_space<semaphore_mem>>) src(%arg11 : memref<32x128xf32, #tpu.memory_space<vmem>>) dst(%dma_wait3A_279 : memref<5056x128xf32, #tpu.memory_space<vmem_shared>>)
        tpu.yield
      }) : () -> ()
    }
    %scan3A_24 = arith.constant 160 : i32
    %barrier3A_25 = arith.constant 0 : index
    tpu.barrier barrier_id(%barrier3A_25)
    %lt3A_26 = arith.constant 8 : i32
    %lt3A_27 = arith.cmpi slt, %arg1, %lt3A_26 : i32
    %convert_element_type3A_28 = arith.extui %lt3A_27 : i1 to i32
    %cond3A_29 = arith.constant 0 : i32
    %cond3A_30 = arith.cmpi ne, %convert_element_type3A_28, %cond3A_29 : i32
    scf.if %cond3A_30 {
      %mul3A_31 = arith.constant 632 : i32
      %mul3A_32 = arith.muli %arg1, %mul3A_31 : i32
      %mul3A_33 = arith.constant 632 : i32
      %mul3A_34 = arith.muli %arg1, %mul3A_33 : i32
      "tpu.region"() ({
        %run_scoped3A_35 = tpu.sem_alloc : memref<!tpu.dma_semaphore, #tpu.memory_space<semaphore_mem>>
        %dma_start3A_36 = arith.constant 0 : i32
        %dma_start3A_37 = tpu.memref_slice %arg6[%arg0, %mul3A_34, %dma_start3A_36] : memref<2x5056x128xf32, #tpu.memory_space<hbm>> -> memref<1x632x128xf32, #tpu.memory_space<hbm>>
        %dma_start3A_38 = tpu.memref_squeeze %dma_start3A_37 : memref<1x632x128xf32, #tpu.memory_space<hbm>> -> memref<632x128xf32, #tpu.memory_space<hbm>>
        %dma_start3A_39 = arith.constant 0 : i32
        %dma_start3A_40 = tpu.memref_slice %arg13[%mul3A_32, %dma_start3A_39] : memref<5056x128xf32, #tpu.memory_space<vmem_shared>> -> memref<632x128xf32, #tpu.memory_space<vmem_shared>>
        tpu.enqueue_dma source(%dma_start3A_40 : memref<632x128xf32, #tpu.memory_space<vmem_shared>>) target(%dma_start3A_38 : memref<632x128xf32, #tpu.memory_space<hbm>>) target_semaphore(%run_scoped3A_35 : memref<!tpu.dma_semaphore, #tpu.memory_space<semaphore_mem>>)
        %dma_wait3A = arith.constant 0 : i32
        %dma_wait3A_41 = tpu.memref_slice %arg6[%arg0, %mul3A_34, %dma_wait3A] : memref<2x5056x128xf32, #tpu.memory_space<hbm>> -> memref<1x632x128xf32, #tpu.memory_space<hbm>>
        %dma_wait3A_42 = tpu.memref_squeeze %dma_wait3A_41 : memref<1x632x128xf32, #tpu.memory_space<hbm>> -> memref<632x128xf32, #tpu.memory_space<hbm>>
        %dma_wait3A_43 = arith.constant 0 : i32
        %dma_wait3A_44 = tpu.memref_slice %arg13[%mul3A_32, %dma_wait3A_43] : memref<5056x128xf32, #tpu.memory_space<vmem_shared>> -> memref<632x128xf32, #tpu.memory_space<vmem_shared>>
        tpu.wait_dma2 semaphore(%run_scoped3A_35 : memref<!tpu.dma_semaphore, #tpu.memory_space<semaphore_mem>>) src(%dma_wait3A_44 : memref<632x128xf32, #tpu.memory_space<vmem_shared>>) dst(%dma_wait3A_42 : memref<632x128xf32, #tpu.memory_space<hbm>>)
        tpu.yield
      }) : () -> ()
    } else {
    }
    return
  }
}

module attributes {stable_mosaic.version = 14 : i64} {
  func.func @_tc_finish_body(%arg0: i32, %arg1: memref<2000x128xf32, #tpu.memory_space<vmem>>, %arg2: memref<2000x32xf32, #tpu.memory_space<vmem>>, %arg3: memref<128x128xf32, #tpu.memory_space<vmem>>, %arg4: memref<1x128xf32, #tpu.memory_space<vmem>>, %arg5: memref<2000x128xf32, #tpu.memory_space<vmem>>) attributes {dimension_semantics = [#tpu.dimension_semantics<arbitrary>], iteration_bounds = array<i64: 5>, scalar_prefetch = 0 : i64, scratch_operands = 0 : i64, tpu.core_type = #tpu.core_type<tc>, window_params = [{transform_indices = @transform_0, window_bounds = array<i64: 2000, 128>}, {transform_indices = @transform_1, window_bounds = array<i64: 2000, 32>}, {pipeline_mode = #tpu.pipeline_mode<synchronous>, transform_indices = @transform_2, window_bounds = array<i64: 128, 128>}, {pipeline_mode = #tpu.pipeline_mode<synchronous>, transform_indices = @transform_3, window_bounds = array<i64: 1, 128>}, {transform_indices = @transform_4, window_bounds = array<i64: 2000, 128>}]} {
    %get3A = arith.constant 0 : index
    %get3A_0 = arith.constant 0 : index
    %get3A_1 = vector.load %arg2[%get3A, %get3A_0] : memref<2000x32xf32, #tpu.memory_space<vmem>>, vector<2000x32xf32>
    %reduce_sum3A = arith.constant dense<0.000000e+00> : vector<2000xf32>
    %reduce_sum3A_2 = vector.multi_reduction <add>, %get3A_1, %reduce_sum3A [1] : vector<2000x32xf32> to vector<2000xf32>
    %broadcast_in_dim3A = vector.shape_cast %reduce_sum3A_2 : vector<2000xf32> to vector<2000x1xf32>
    %max3A = arith.constant 1.000000e+00 : f32
    %max3A_3 = vector.broadcast %max3A : f32 to vector<2000x1xf32>
    %max3A_4 = arith.maximumf %broadcast_in_dim3A, %max3A_3 : vector<2000x1xf32>
    %get3A_5 = arith.constant 0 : index
    %get3A_6 = arith.constant 0 : index
    %get3A_7 = vector.load %arg1[%get3A_5, %get3A_6] : memref<2000x128xf32, #tpu.memory_space<vmem>>, vector<2000x128xf32>
    %div3A = vector.broadcast %max3A_4 : vector<2000x1xf32> to vector<2000x128xf32>
    %div3A_8 = arith.divf %get3A_7, %div3A : vector<2000x128xf32>
    %get3A_9 = arith.constant 0 : index
    %get3A_10 = arith.constant 0 : index
    %get3A_11 = vector.load %arg3[%get3A_9, %get3A_10] : memref<128x128xf32, #tpu.memory_space<vmem>>, vector<128x128xf32>
    %dot_general3A = arith.constant dense<0.000000e+00> : vector<2000x128xf32>
    %dot_general3A_12 = tpu.matmul %div3A_8, %get3A_11, %dot_general3A {dimension_numbers = #tpu.dot_dimension_numbers<[1], [1], [0], [0], [0, 0, 1, 0], [], []>, transpose_lhs_hint = false} : vector<2000x128xf32>, vector<128x128xf32>, vector<2000x128xf32> -> vector<2000x128xf32>
    %gt3A = arith.constant 0.000000e+00 : f32
    %gt3A_13 = vector.broadcast %gt3A : f32 to vector<2000x1xf32>
    %gt3A_14 = arith.cmpf ogt, %broadcast_in_dim3A, %gt3A_13 : vector<2000x1xf32>
    %jit3A = arith.constant 1.000000e+00 : f32
    %jit3A_15 = arith.constant 0.000000e+00 : f32
    %broadcast_in_dim3A_16 = vector.broadcast %jit3A : f32 to vector<2000x1xf32>
    %broadcast_in_dim3A_17 = vector.broadcast %jit3A_15 : f32 to vector<2000x1xf32>
    %select_n3A = arith.select %gt3A_14, %broadcast_in_dim3A_16, %broadcast_in_dim3A_17 : vector<2000x1xi1>, vector<2000x1xf32>
    %get3A_18 = arith.constant 0 : index
    %get3A_19 = arith.constant 0 : index
    %get3A_20 = vector.load %arg4[%get3A_18, %get3A_19] : memref<1x128xf32, #tpu.memory_space<vmem>>, vector<1x128xf32>
    %mul3A = vector.broadcast %select_n3A : vector<2000x1xf32> to vector<2000x128xf32>
    %mul3A_21 = vector.broadcast %get3A_20 : vector<1x128xf32> to vector<2000x128xf32>
    %mul3A_22 = arith.mulf %mul3A, %mul3A_21 : vector<2000x128xf32>
    %add3A = arith.addf %dot_general3A_12, %mul3A_22 : vector<2000x128xf32>
    %swap3A = arith.constant 0 : index
    %swap3A_23 = arith.constant 0 : index
    %swap3A_24 = vector.load %arg5[%swap3A, %swap3A_23] : memref<2000x128xf32, #tpu.memory_space<vmem>>, vector<2000x128xf32>
    tpu.vector_store %arg5[%swap3A, %swap3A_23], %add3A {strides = array<i32>} : memref<2000x128xf32, #tpu.memory_space<vmem>>, vector<2000x128xf32>,
    return
  }
  func.func @transform_0(%arg0: i32) -> (i32, i32) {
    %c0_i32 = arith.constant 0 : i32
    %c0_i32_0 = arith.constant 0 : i32
    return %arg0, %c0_i32 : i32, i32
  }
  func.func @transform_1(%arg0: i32) -> (i32, i32) {
    %c0_i32 = arith.constant 0 : i32
    %c0_i32_0 = arith.constant 0 : i32
    return %arg0, %c0_i32 : i32, i32
  }
  func.func @transform_2(%arg0: i32) -> (i32, i32) {
    %c0_i32 = arith.constant 0 : i32
    %c0_i32_0 = arith.constant 0 : i32
    %c0_i32_1 = arith.constant 0 : i32
    return %c0_i32, %c0_i32_0 : i32, i32
  }
  func.func @transform_3(%arg0: i32) -> (i32, i32) {
    %c0_i32 = arith.constant 0 : i32
    %c0_i32_0 = arith.constant 0 : i32
    %c0_i32_1 = arith.constant 0 : i32
    return %c0_i32, %c0_i32_0 : i32, i32
  }
  func.func @transform_4(%arg0: i32) -> (i32, i32) {
    %c0_i32 = arith.constant 0 : i32
    %c0_i32_0 = arith.constant 0 : i32
    return %arg0, %c0_i32 : i32, i32
  }
}

</mosaic_0001>

<sc_bundles>
// kernel: kernel.5.cloned.1.call-start
scs
__scs_entry_jumppad:
0x0: {  	(pc) =	sbr.rel $0x88, $3  }
0x1: {  	(tag) =	ssettag $0x0;
	lr =	simm.s32 $0x1  }
0x2: {  	[smem:$0x3F9D] =	sst lr;
	_ =	strace $0xD0000000  }
0x3: {  	_ = 	snop  }
0x4: {  	_ = 	snop  }
0x5: {  	_ = 	snop  }
0x6: {  	_ = 	snop  }
0x7: {  	_ = 	snop  }
__scs_overlays_trampoline_lowered:
0x8: {  	[smem:$0x3FAC] =	sst s0  }
0x9: {  	[smem:$0x3FAD] =	sst s1  }
0xa: {  	[smem:$0x3FAE] =	sst s2  }
0xb: {  	[smem:$0x3FAF] =	sst s3  }
0xc: {  	[smem:$0x3FB0] =	sst s4  }
0xd: {  	[smem:$0x3FB1] =	sst s5  }
0xe: {  	[smem:$0x3FB2] =	sst s6  }
0xf: {  	[smem:$0x3FB3] =	sst s7  }
0x10: {  	[smem:$0x3FB4] =	sst s8  }
0x11: {  	[smem:$0x3FB5] =	sst s9;
	s0 =	simm.s32 @!p0 $0x0  }
0x12: {  	s1 =	sld [smem:$0x3F9B];
	s0 =	simm.s32 @p0 $0x1  }
0x13: {  	[smem:$0x3FB6] =	sst s0;
	s0 =	simm.s32 @!p1 $0x0  }
0x14: {  	s2 =	sld [smem:$0x3F9A];
	s0 =	simm.s32 @p1 $0x1  }
0x15: {  	[smem:$0x3FB7] =	sst s0;
	s0 =	simm.s32 @!p2 $0x0  }
0x16: {  	s3 =	sld [smem:$0x3FDB];
	s0 =	simm.s32 @p2 $0x1  }
0x17: {  	s4 =	simm.s32 $0x1BF5;
	[smem:$0x3FB9] =	sst s0  }
0x18: {  	s0 =	sld [smem:$0x3F9C];
	_ =	swait.ge [sflag:s4], $0x0  }
0x19: {  	s7 =	sld [smem:$0x3F9D]  }
0x1a: {  	s8 =	sadd.s32 $0xFFFFE003, lr  }
0x1b: {  	s9 =	sadd.s32 $0xFFFFFEF7, lr;
	s5 =	simm.s32 $0xFFFFFFFF;
	p2 =	slt.u32 s8, $0xFFFFF086  }
0x1c: {  	p1 =	slt.u32 s9, $0xF7A;
	s5 =	simm.s32 @!p2 $0x0  }
0x1d: {  	s5 =	simm.s32 @p1 $0x1;
	p0 =	seq.s32 s7, s2  }
0x1e: {  	s7 =	smul.u32 @!p0 $0xF7A, s2;
	p2 =	seq.s32 @!p0 s5, $0x0  }
0x1f: {  	s9 =	smul.u32 $0xF7A, s1;
	s8 =	simm.s32 @!p0 $0x1BF5;
	p2 =	por !p2, p0  }
0x20: {  	[sflag:s8] =	ssyncset.s32 @!p0 $0xFFFFF086;
	s6 =	sadd.s32 @!p0 s3, s7;
	s7 =	simm.s32 @!p0 $0x108  }
0x21: {  	s3 =	sadd.s32 s3, s9;
	s6 =	sadd.s32 @!p0 $0x88, s6;
	s7 =	simm.s32 @p2 $0x1082  }
0x22: {  	[simem:s7], [sflag:s8] =	dma.local @!p0 [hbm:s6], $0xF7A  }
0x23: {  	s9 =	sor.u32 $0xD0000000, s2;
	s6 =	simm.s32 $0x108;
	_ =	swait.ge @!p0 [sflag:s8], $0x0  }
0x24: {  	s3 =	sadd.s32 $0x88, s3;
	s6 =	simm.s32 @!p1 $0x1082;
	[sflag:s4] =	ssyncset.s32 $0xFFFFF086  }
0x25: {  	[simem:s6], [sflag:s4] =	dma.local [hbm:s3], $0xF7A  }
0x26: {  	[smem:$0x3F9D] =	sst s1;
	(tag) =	ssettag s2;
	_ =	strace s9  }
0x27: {  	s1 =	sld [smem:$0x3FAD]  }
0x28: {  	s2 =	sld [smem:$0x3FAE]  }
0x29: {  	s4 =	sld [smem:$0x3FB0]  }
0x2a: {  	p0 =	seq.s32 s5, $0x0;
	s5 =	sld [smem:$0x3FB1]  }
0x2b: {  	s6 =	sld [smem:$0x3FB2]  }
0x2c: {  	s7 =	sld [smem:$0x3FB3]  }
0x2d: {  	s3 =	simm.s32 $0x108;
	s8 =	sld [smem:$0x3FB4]  }
0x2e: {  	s3 =	simm.s32 @!p0 $0x1082;
	s9 =	sld [smem:$0x3FB5]  }
0x2f: {  	lr =	sadd.s32 s0, s3;
	s0 =	sld [smem:$0x3FAC]  }
0x30: {  	s3 =	sld [smem:$0x3FAF]  }
0x31: {  	[smem:$0x3FB8] =	sst s10  }
0x32: {  	s10 =	sld [smem:$0x3FB6];
	_ =	sdelay $0x3  }
0x33: {  	p0 =	seq.s32 s10, $0x1;
	s10 =	sld [smem:$0x3FB8];
	_ =	sdelay $0x3  }
0x34: {  	[smem:$0x3FB8] =	sst s10  }
0x35: {  	s10 =	sld [smem:$0x3FB7];
	_ =	sdelay $0x3  }
0x36: {  	p1 =	seq.s32 s10, $0x1;
	s10 =	sld [smem:$0x3FB8];
	_ =	sdelay $0x3  }
0x37: {  	[smem:$0x3FB8] =	sst s10  }
0x38: {  	s10 =	sld [smem:$0x3FB9]  }
0x39: {  	_ = 	snop;
	(pc) =	sbr.ind lr, $3  }
0x3a: {  	_ = 	snop  }
0x3b: {  	_ = 	snop  }
0x3c: {  	p2 =	seq.s32 s10, $0x1;
	s10 =	sld [smem:$0x3FB8]  }
0x3d: {  	_ =	shalt  }
0x3e: {  	_ =	shalt  }
0x3f: {  	_ =	shalt  }
0x40: {  	_ =	shalt  }
0x41: {  	_ =	shalt  }
0x42: {  	_ =	shalt  }
0x43: {  	_ =	shalt  }
0x44: {  	_ =	shalt  }
0x45: {  	_ =	shalt  }
0x46: {  	_ =	shalt  }
0x47: {  	_ =	shalt  }
0x48: {  	_ =	shalt  }
0x49: {  	_ =	shalt  }
0x4a: {  	_ =	shalt  }
0x4b: {  	_ =	shalt  }
0x4c: {  	_ =	shalt  }
0x4d: {  	_ =	shalt  }
0x4e: {  	_ =	shalt  }
0x4f: {  	_ =	shalt  }
0x50: {  	_ =	shalt  }
0x51: {  	_ =	shalt  }
0x52: {  	_ =	shalt  }
0x53: {  	_ =	shalt  }
0x54: {  	_ =	shalt  }
0x55: {  	_ =	shalt  }
0x56: {  	_ =	shalt  }
0x57: {  	_ =	shalt  }
0x58: {  	_ =	shalt  }
0x59: {  	_ =	shalt  }
0x5a: {  	_ =	shalt  }
0x5b: {  	_ =	shalt  }
0x5c: {  	_ =	shalt  }
0x5d: {  	_ =	shalt  }
0x5e: {  	_ =	shalt  }
0x5f: {  	_ =	shalt  }
0x60: {  	_ =	shalt  }
0x61: {  	_ =	shalt  }
0x62: {  	_ =	shalt  }
0x63: {  	_ =	shalt  }
0x64: {  	_ =	shalt  }
0x65: {  	_ =	shalt  }
0x66: {  	_ =	shalt  }
0x67: {  	_ =	shalt  }
0x68: {  	_ =	shalt  }
0x69: {  	_ =	shalt  }
0x6a: {  	_ =	shalt  }
0x6b: {  	_ =	shalt  }
0x6c: {  	_ =	shalt  }
0x6d: {  	_ =	shalt  }
0x6e: {  	_ =	shalt  }
0x6f: {  	_ =	shalt  }
0x70: {  	_ =	shalt  }
0x71: {  	_ =	shalt  }
0x72: {  	_ =	shalt  }
0x73: {  	_ =	shalt  }
0x74: {  	_ =	shalt  }
0x75: {  	_ =	shalt  }
0x76: {  	_ =	shalt  }
0x77: {  	_ =	shalt  }
0x78: {  	_ =	shalt  }
0x79: {  	_ =	shalt  }
0x7a: {  	_ =	shalt  }
0x7b: {  	_ =	shalt  }
0x7c: {  	_ =	shalt  }
0x7d: {  	_ =	shalt  }
0x7e: {  	_ =	shalt  }
0x7f: {  	_ =	shalt  }
0x80: {  	_ =	shalt  }
0x81: {  	_ =	shalt  }
0x82: {  	_ =	shalt  }
0x83: {  	_ =	shalt  }
0x84: {  	_ =	shalt  }
0x85: {  	_ =	shalt  }
0x86: {  	_ =	shalt  }
0x87: {  	_ =	shalt  }
.Lfunc_end0:
.L_simem_size_0:
called_computation_lowered:
.L_overlay_start_0:
0x88: {  	s2 =	sld [smem:$0x3FD9]  }
0x89: {  	s3 =	sld [smem:$0x3FFE];
	_ =	sdelay $0x1  }
0x8a: {  	s1 =	srdreg.scid  }
0x8b: {  	s0 =	sand.u32 $0x1, s1  }
0x8c: {  	s17 =	sshll.u32 s0, $0xA;
	s2 =	sadd.s32 s3, s2  }
0x8d: {  	s2 =	sadd.s32 s2, s17  }
0x8e: {  	[smem:$0x3FC4] =	sst s2  }
0x8f: {  	_ = 	snop  }
0x90: {  	s18 =	sld [smem:$0x3FD0];
	(tm) =	ssettm $0x1  }
0x91: {  	s19 =	sld [smem:$0x3FFB];
	_ =	sdelay $0x3  }
0x92: {  	_ =	strace s19  }
0x93: {  	s2 =	sld [smem:$0x3FFC];
	_ =	sdelay $0x3  }
0x94: {  	_ =	strace s2  }
0x95: {  	s2 =	sld [smem:$0x3FFD];
	_ =	sdelay $0x3  }
0x96: {  	_ =	strace s2  }
0x97: {  	_ =	strace $0x8FFFFFFF  }
0x98: {  	s20 =	sld [smem:$0x3FDB];
	_ =	sdelay $0x1  }
0x99: {  	s4 =	simm.s32 $_scs_section_size  }
0x9a: {  	s5 =	simm.s32 $_size__tile_overlayer_lowered;
	s6 =	simm.s32 $_tile_overlayer_lowered  }
0x9b: {  	s7 =	simm.s32 $0x1BFF;
	s21 =	sshll.u32 s6, $0x1;
	s4 =	sadd.s32 s4, s20  }
0x9c: {  	s22 =	simm.s32 $0x0;
	s5 =	sshll.u32 s5, $0x1;
	s6 =	sadd.s32 s21, s4  }
0x9d: {  	[timem:s22], [sflag:s7] =	dma.local [hbm:s6], s5  }
0x9e: {  	_ =	swait.ge [sflag:s7], s5  }
0x9f: {  	s5 =	ssub.s32 $0x0, s5;
	[sflag:s7] =	ssyncset.done $0x0  }
0xa0: {  	[sflag:s7] =	ssyncadd.s32 s5;
	_ =	sdelay $0x1  }
0xa1: {  	s23 =	simm.s32 $0x1B8B  }
0xa2: {  	_ =	swait.ge [sflag:s23], $0x1  }
0xa3: {  	[sflag:s23] =	ssyncset.done $0x0  }
0xa4: {  	[sflag:s23] =	ssyncadd.s32 $0xFFFFFFFF  }
0xa5: {  	s5 =	sld [smem:$0x0]  }
0xa6: {  	s6 =	sand.u32 $0xFFFFFFFE, s1  }
0xa7: {  	p0 =	sne.s32 s1, s6  }
0xa8: {  	s6 =	sshll.u32 @p0 s6, $0xE  }
0xa9: {  	s6 =	sadd.s32 @p0 $0x11B8D, s6;
	s7 =	sshll.u32 @p0 s5, $0x11  }
0xaa: {  	s6 =	sor.u32 @p0 s7, s6  }
0xab: {  	[sflag:s6] =	ssyncadd.remote.s32 @p0 $0x1;
	_ =	sdelay $0x1  }
0xac: {  	s6 =	simm.s32 @p0 $0x1B8D  }
0xad: {  	_ =	swait.eq @p0 [sflag:s6], $0x1  }
0xae: {  	[sflag:s6] =	ssyncadd.s32 @p0 $0xFFFFFFFF  }
0xaf: {  	s7 =	sshll.u32 @!p0 s1, $0xE  }
0xb0: {  	s7 =	sor.u32 @!p0 $0x4000, s7;
	s6 =	simm.s32 @!p0 $0x1B8D  }
0xb1: {  	s5 =	sshll.u32 @!p0 s5, $0x11;
	s7 =	sadd.s32 @!p0 $0x11B8D, s7;
	_ =	swait.eq @!p0 [sflag:s6], $0x1  }
0xb2: {  	s5 =	sor.u32 @!p0 s5, s7;
	[sflag:s6] =	ssyncadd.s32 @!p0 $0xFFFFFFFF  }
0xb3: {  	s25 =	simm.s32 $0x1B8E;
	s24 =	sld [smem:$0x3FFE];
	[sflag:s5] =	ssyncadd.remote.s32 @!p0 $0x1  }
0xb4: {  	s26 =	simm.s32 $execute0_lowered;
	[smem:$0x3FD2] =	sst s25  }
0xb5: {  	s6 =	sshll.u32 s26, $0x1;
	_ =	strace $0x80000049;
	[dreg:$0x1] =	wrdreg $0xFFFFFFFF  }
0xb6: {  	s28 =	simm.s32 $_size_execute0_lowered;
	s4 =	sadd.s32 s4, s6;
	[dreg:$0x0] =	wrdreg $0x0  }
0xb7: {  	s6 =	sshll.u32 s28, $0x1;
	[dreg:$0x2] =	wrdreg s4  }
0xb8: {  	[dreg:$0x3] =	wrdreg s6  }
0xb9: {  	[dreg:$0x4] =	wrdreg $0xC0  }
0xba: {  	_ =	task [dreg:s22], $0x5FFFF  }
0xbb: {  	[dreg:$0x1] =	wrdreg $0xFFFFFFFF  }
0xbc: {  	[dreg:$0x0] =	wrdreg $0x60  }
0xbd: {  	[dreg:$0x2] =	wrdreg s24  }
0xbe: {  	[dreg:$0x3] =	wrdreg s18  }
0xbf: {  	[dreg:$0x4] =	wrdreg $0x24000  }
0xc0: {  	[dreg:$0x5] =	wrdreg $0x160000  }
0xc1: {  	[dreg:$0x6] =	wrdreg $0x9  }
0xc2: {  	_ =	task.clear_ibuf [dreg:s22], $0x7FFFF;
	_ =	strace $0x90000049  }
0xc3: {  	s29 =	simm.s32 $0x9;
	_ =	strace $0x8000004B  }
0xc4: {  	_ =	swait.ge [sflag:s29], $0x1  }
0xc5: {  	[sflag:s29] =	ssyncadd.s32 $0xFFFFFFFF  }
0xc6: {  	_ =	strace $0x9000004B  }
0xc7: {  	_ =	sfence  }
0xc8: {  	s30 =	sld [smem:$0x0];
	_ =	sdelay $0x2  }
0xc9: {  	s31 =	sshll.u32 s1, $0xD;
	s1 =	sshrl.u32 s1, $0x2  }
0xca: {  	s4 =	sand.u32 $0x4000, s31;
	s1 =	sadd.s32 s1, s30  }
0xcb: {  	s0 =	sor.u32 s4, s0;
	s1 =	sshll.u32 s1, $0x11  }
0xcc: {  	s0 =	sor.u32 s1, s0  }
0xcd: {  	s0 =	sadd.s32 $0x8F2B, s0  }
0xce: {  	[sflag:s0] =	ssyncadd.remote.s32 $0x1  }
0xcf: {  	_ =	sfence.sel $0xFFFF  }
0xd0: {  	[dreg:$0x0] =	wrdreg $0xFFFFFFFF;
	(pc) =	sbr.abs _section_cstart, $3  }
0xd1: {  	[dreg:$0x1] =	wrdreg $0xFFFFFFFF  }
0xd2: {  	_ =	task.clear_ibuf [dreg:s22], $0x2FFFF;
	_ =	strace $0x9FFFFFFF  }
0xd3: {  	(tm) =	ssettm $0x7FFFFFFF  }
tec
execute0_lowered:
.L_overlay_start_1:
0x0: {  	(tag) =	ssettag $0x1  }
0x1: {  	s0 =	rddreg [dreg:$0x0]  }
0x2: {  	s2 =	rddreg [dreg:$0x1]  }
0x3: {  	s3 =	rddreg [dreg:$0x2]  }
0x4: {  	s4 =	rddreg [dreg:$0x3]  }
0x5: {  	s1 =	stileid.u32;
	s6 =	srdreg.scid  }
0x6: {  	s5 =	simm.s32 $0x0;
	s16 =	simm.s32 $0x4;
	s19 =	simm.s32 $0x20  }
0x7: {  	s20 =	simm.s32 $0x400;
	s21 =	simm.s32 $0x1400;
	s29 =	simm.s32 $0x200  }
0x8: {  	s22 =	simm.s32 $0x1;
	s30 =	simm.s32 $0x280;
	s23 =	simm.s32 $0x2  }
0x9: {  	s31 =	simm.s32 $0x300;
	s11 =	smul.u32 $0x13C00, s1;
	s13 =	sand.u32 $0x1, s6  }
0xa: {  	[smem:$0x7FF] =	sst s5;
	s6 =	sadd.s32 $0xE00, s0;
	s26 =	sshll.u32 s1, $0x6  }
0xb: {  	p0 =	sgt.u32 s1, $0x7;
	_ =	strace $0x8000004A;
	[dreg:$0x5] =	wrdreg s29  }
0xc: {  	s7 =	smul.u32 $0x9E000, s13;
	s10 =	ssub.s32 $0x2, s13;
	[dreg:$0x6] =	wrdreg s30  }
0xd: {  	s24 =	smul.u32 $0x1388, s13;
	[dreg:$0x7] =	wrdreg s31;
	s25 =	sshrl.u32 s11, $0x3  }
0xe: {  	s12 =	sshrl.u32 s10, $0x1;
	s15 =	sadd.s32 s11, s3;
	s17 =	sadd.s32 s11, s4  }
0xf: {  	s9 =	sadd.s32 s25, s0;
	s8 =	sadd.s32 s11, s7;
	s7 =	sadd.s32 $0x3CC00, s0  }
0x10: {  	s14 =	ssub.s32 s10, s12;
	s10 =	sor.u32 $0x1C04, s26;
	s8 =	sshrl.u32 s8, $0x3  }
0x11: {  	s15 =	sshrl.u32 s15, $0x3;
	s0 =	sadd.s32 s8, s0;
	s8 =	smul.u32 $0x5000, s1  }
0x12: {  	s17 =	sshrl.u32 @!p0 s17, $0x3;
	v0 =	vmov s24;
	s24 =	simm.s32 $0x380;
	s25 =	simm.s32 $0x0  }
0x13: {  	v1 =	vlaneseq.u32;
	s9 =	sadd.s32 $0x15400, s9;
	s14 =	smax.u32 s14, $0x1;
	s28 =	sshrl.u32 s8, $0x3  }
0x14: {  	v1 =	vor.u32 $0x1388, v1;
	s13 =	sadd.s32 $0x3F400, s0;
	s11 =	sadd.s32 s2, s28;
	s12 =	sadd.s32 s6, s28  }
.LBB2_1:
0x15: {  	[spmem:s15], [sflag:s10] =	dma.local [hbm:s9], $0x2780  }
0x16: {  	_ =	swait.ge [sflag:s16], $0x2780  }
0x17: {  	[sflag:s16] =	ssyncset.done $0x0  }
0x18: {  	s0 =	simm.s32 @!p0 $0x4;
	[sflag:s16] =	ssyncadd.s32 $0xFFFFD880  }
0x19: {  	[spmem:s17], [sflag:s10] =	dma.local @!p0 [hbm:s7], $0x2780  }
0x1a: {  	_ =	swait.ge @!p0 [sflag:s0], $0x2780  }
0x1b: {  	[sflag:s0] =	ssyncset.done @!p0 $0x0  }
0x1c: {  	[sflag:s0] =	ssyncadd.s32 @!p0 $0xFFFFD880  }
0x1d: {  	[tilespmem:s5], [sflag:$0x4] =	stream.linear.gather [hbm4b:s11+s5], $0x80, $0x38;
	[tilespmem:$0x1FE00] =	vst v63  }
0x1e: {  	_ =	swait.ge [sflag:s16], $0x80  }
0x1f: {  	[sflag:s16] =	ssyncset.done $0x0  }
0x20: {  	s1 =	simm.s32 $0x100;
	[sflag:s16] =	ssyncadd.s32 $0xFFFFFF80  }
0x21: {  	[tilespmem:s1], [sflag:$0x4] =	stream.linear.gather [hbm4b:s12+s5], $0x80, $0x38;
	[tilespmem:$0x1FE00] =	vst v63  }
0x22: {  	_ =	swait.ge [sflag:s16], $0x80  }
0x23: {  	[sflag:s16] =	ssyncset.done $0x0  }
0x24: {  	s26 =	sand.u32 $0x1, s5;
	[sflag:s16] =	ssyncadd.s32 $0xFFFFFF80  }
0x25: {  	s18 =	sshll.u32 s26, $0x7;
	[bflag:$0x0] =	sbarrier.arrive $0xFFFF  }
0x26: {  	[tilespmem:s20], [sflag:$0x1] =	stream.indirect.gather [spmem:s3], $0x80, s5, s19, $0xb8;
	[tilespmem:$0x1FE00] =	vst v63  }
0x27: {  	v2 =	vld [tilespmem:s18+$0x100];
	_ =	sdelay $0x4  }
0x28: {  	v2 =	vsub.s32 v2, v0  }
0x29: {  	vm0 =	vgt.u32 v2, $0x1387  }
0x2a: {  	v2 =	vsel vm0, v1, v2  }
0x2b: {  	[tilespmem:$0x200] =	vst v2  }
0x2c: {  	v2 =	vld [tilespmem:s18+$0x110];
	_ =	sdelay $0x4  }
0x2d: {  	v2 =	vsub.s32 v2, v0  }
0x2e: {  	vm9 =	vgt.u32 v2, $0x1387  }
0x2f: {  	v2 =	vsel vm9, v1, v2  }
0x30: {  	[tilespmem:$0x210] =	vst v2  }
0x31: {  	v2 =	vld [tilespmem:s18+$0x120];
	_ =	sdelay $0x4  }
0x32: {  	v2 =	vsub.s32 v2, v0  }
0x33: {  	vm10 =	vgt.u32 v2, $0x1387  }
0x34: {  	v2 =	vsel vm10, v1, v2  }
0x35: {  	[tilespmem:$0x280] =	vst v2  }
0x36: {  	v2 =	vld [tilespmem:s18+$0x130];
	_ =	sdelay $0x4  }
0x37: {  	v2 =	vsub.s32 v2, v0  }
0x38: {  	vm11 =	vgt.u32 v2, $0x1387  }
0x39: {  	v2 =	vsel vm11, v1, v2  }
0x3a: {  	[tilespmem:$0x290] =	vst v2  }
0x3b: {  	v2 =	vld [tilespmem:s18+$0x140];
	_ =	sdelay $0x4  }
0x3c: {  	v2 =	vsub.s32 v2, v0  }
0x3d: {  	vm12 =	vgt.u32 v2, $0x1387  }
0x3e: {  	v2 =	vsel vm12, v1, v2  }
0x3f: {  	[tilespmem:$0x300] =	vst v2  }
0x40: {  	v2 =	vld [tilespmem:s18+$0x150];
	_ =	sdelay $0x4  }
0x41: {  	v2 =	vsub.s32 v2, v0  }
0x42: {  	vm13 =	vgt.u32 v2, $0x1387  }
0x43: {  	v2 =	vsel vm13, v1, v2  }
0x44: {  	[tilespmem:$0x310] =	vst v2  }
0x45: {  	v2 =	vld [tilespmem:s18+$0x160];
	_ =	sdelay $0x4  }
0x46: {  	v2 =	vsub.s32 v2, v0  }
0x47: {  	vm14 =	vgt.u32 v2, $0x1387  }
0x48: {  	v2 =	vsel vm14, v1, v2  }
0x49: {  	[tilespmem:$0x380] =	vst v2  }
0x4a: {  	v2 =	vld [tilespmem:s18+$0x170];
	_ =	sdelay $0x2  }
0x4b: {  	s28 =	simm.s32 $0x80;
	p1 =	por $0x0, $0x0  }
0x4c: {  	s29 =	sand.u32 @!p1 $0xFC00, s28  }
0x4d: {  	s28 =	sand.u32 @!p1 $0x380, s28;
	s29 =	sadd.s32 @!p1 s8, s29;
	v2 =	vsub.s32 v2, v0  }
0x4e: {  	s28 =	sor.u32 @!p1 s28, s29;
	vm15 =	vgt.u32 v2, $0x1387  }
0x4f: {  	s26 =	sxor.u32 $0x1, s26;
	s28 =	sshrl.u32 @!p1 s28, $0x3;
	v2 =	vsel vm15, v1, v2  }
0x50: {  	s26 =	sshll.u32 @!p1 s26, $0x7;
	s29 =	simm.s32 @!p1 $0x0;
	s30 =	sadd.s32 @!p1 s2, s28;
	[tilespmem:$0x390] =	vst v2  }
0x51: {  	[tilespmem:s26], [sflag:$0x3] =	stream.linear.gather @!p1 [hbm4b:s30+s29], $0x80, $0x38;
	[tilespmem:$0x1FE00] =	vst v63  }
0x52: {  	s28 =	sadd.s32 @!p1 s6, s28;
	s30 =	sor.u32 @!p1 $0x100, s26  }
0x53: {  	[tilespmem:s30], [sflag:$0x3] =	stream.linear.gather @!p1 [hbm4b:s28+s29], $0x80, $0x38;
	[tilespmem:$0x1FE00] =	vst v63  }
0x54: {  	s28 =	sadd.s32 $0x20, s18  }
0x55: {  	[tilespmem:s21], [sflag:$0x2] =	stream.indirect.gather [spmem:s3], $0x80, s28, s19, $0xb8;
	[tilespmem:$0x1FE00] =	vst v63  }
0x56: {  	_ =	swait.ge [sflag:s22], $0x1000  }
0x57: {  	[sflag:s22] =	ssyncset.done $0x0  }
0x58: {  	s28 =	rddreg [dreg:$0x5];
	[sflag:s22] =	ssyncadd.s32 $0xFFFFF000  }
0x59: {  	[spmem:s4] =	stream.indirect.scatter.add.f32 [tilespmem:s20], [sflag:$0x4], $0x80, s28, s19, $0xb8;
	[tilespmem:$0x1FE00] =	vst v63  }
0x5a: {  	_ =	swait.ge [sflag:s16], $0x1000  }
0x5b: {  	[sflag:s16] =	ssyncset.done $0x0  }
0x5c: {  	s28 =	sadd.s32 $0x40, s18;
	[sflag:s16] =	ssyncadd.s32 $0xFFFFF000  }
0x5d: {  	[tilespmem:s20], [sflag:$0x1] =	stream.indirect.gather [spmem:s3], $0x80, s28, s19, $0xb8;
	[tilespmem:$0x1FE00] =	vst v63  }
0x5e: {  	_ =	swait.ge [sflag:s23], $0x1000  }
0x5f: {  	[sflag:s23] =	ssyncset.done $0x0  }
0x60: {  	s28 =	rddreg [dreg:$0x6];
	[sflag:s23] =	ssyncadd.s32 $0xFFFFF000  }
0x61: {  	[spmem:s4] =	stream.indirect.scatter.add.f32 [tilespmem:s21], [sflag:$0x4], $0x80, s28, s19, $0xb8;
	[tilespmem:$0x1FE00] =	vst v63  }
0x62: {  	_ =	swait.ge [sflag:s16], $0x1000  }
0x63: {  	[sflag:s16] =	ssyncset.done $0x0  }
0x64: {  	s0 =	sadd.s32 $0x60, s18;
	[sflag:s16] =	ssyncadd.s32 $0xFFFFF000  }
0x65: {  	[tilespmem:s21], [sflag:$0x2] =	stream.indirect.gather [spmem:s3], $0x80, s0, s19, $0xb8;
	[tilespmem:$0x1FE00] =	vst v63  }
0x66: {  	_ =	swait.ge [sflag:s22], $0x1000  }
0x67: {  	[sflag:s22] =	ssyncset.done $0x0  }
0x68: {  	s31 =	rddreg [dreg:$0x7];
	[sflag:s22] =	ssyncadd.s32 $0xFFFFF000  }
0x69: {  	[spmem:s4] =	stream.indirect.scatter.add.f32 [tilespmem:s20], [sflag:$0x4], $0x80, s31, s19, $0xb8;
	[tilespmem:$0x1FE00] =	vst v63  }
0x6a: {  	_ =	swait.ge [sflag:s16], $0x1000  }
0x6b: {  	[sflag:s16] =	ssyncset.done $0x0  }
0x6c: {  	s0 =	simm.s32 @!p1 $0x3;
	[sflag:s16] =	ssyncadd.s32 $0xFFFFF000  }
0x6d: {  	_ =	swait.ge @!p1 [sflag:s0], $0x80  }
0x6e: {  	[sflag:s0] =	ssyncset.done @!p1 $0x0  }
0x6f: {  	[sflag:s0] =	ssyncadd.s32 @!p1 $0xFFFFFF80  }
0x70: {  	_ =	swait.ge @!p1 [sflag:s0], $0x80  }
0x71: {  	[sflag:s0] =	ssyncset.done @!p1 $0x0  }
0x72: {  	s28 =	simm.s32 @!p1 $0x400;
	[sflag:s0] =	ssyncadd.s32 @!p1 $0xFFFFFF80;
	s0 =	simm.s32 @!p1 $0x20  }
0x73: {  	[tilespmem:s28], [sflag:$0x1] =	stream.indirect.gather @!p1 [spmem:s3], $0x80, s26, s0, $0xb8;
	[tilespmem:$0x1FE00] =	vst v63  }
0x74: {  	_ =	swait.ge [sflag:s23], $0x1000  }
0x75: {  	[sflag:s23] =	ssyncset.done $0x0  }
0x76: {  	[sflag:s23] =	ssyncadd.s32 $0xFFFFF000  }
0x77: {  	[spmem:s4] =	stream.indirect.scatter.add.f32 [tilespmem:s21], [sflag:$0x4], $0x80, s24, s19, $0xb8;
	[tilespmem:$0x1FE00] =	vst v63  }
0x78: {  	s29 =	simm.s32 $0x2;
	s26 =	simm.s32 $0x1;
	_ =	swait.ge [sflag:s16], $0x1000  }
0x79: {  	s28 =	simm.s32 $0x100;
	s30 =	sand.u32 $0x1, s26;
	[sflag:s16] =	ssyncset.done $0x0  }
.LBB2_2:
0x7a: {  	s31 =	sshll.u32 s30, $0x7;
	[sflag:s16] =	ssyncadd.s32 $0xFFFFF000  }
0x7b: {  	v2 =	vld [tilespmem:s31+$0x100];
	_ =	sdelay $0x4  }
0x7c: {  	v2 =	vsub.s32 v2, v0  }
0x7d: {  	vm0 =	vgt.u32 v2, $0x1387  }
0x7e: {  	v2 =	vsel vm0, v1, v2  }
0x7f: {  	[tilespmem:$0x200] =	vst v2  }
0x80: {  	v2 =	vld [tilespmem:s31+$0x110];
	_ =	sdelay $0x4  }
0x81: {  	v2 =	vsub.s32 v2, v0  }
0x82: {  	vm9 =	vgt.u32 v2, $0x1387  }
0x83: {  	v2 =	vsel vm9, v1, v2  }
0x84: {  	[tilespmem:$0x210] =	vst v2  }
0x85: {  	v2 =	vld [tilespmem:s31+$0x120];
	_ =	sdelay $0x4  }
0x86: {  	v2 =	vsub.s32 v2, v0  }
0x87: {  	vm10 =	vgt.u32 v2, $0x1387  }
0x88: {  	v2 =	vsel vm10, v1, v2  }
0x89: {  	[tilespmem:$0x280] =	vst v2  }
0x8a: {  	v2 =	vld [tilespmem:s31+$0x130];
	_ =	sdelay $0x4  }
0x8b: {  	v2 =	vsub.s32 v2, v0  }
0x8c: {  	vm11 =	vgt.u32 v2, $0x1387  }
0x8d: {  	v2 =	vsel vm11, v1, v2  }
0x8e: {  	[tilespmem:$0x290] =	vst v2  }
0x8f: {  	v2 =	vld [tilespmem:s31+$0x140];
	_ =	sdelay $0x4  }
0x90: {  	v2 =	vsub.s32 v2, v0  }
0x91: {  	vm12 =	vgt.u32 v2, $0x1387  }
0x92: {  	v2 =	vsel vm12, v1, v2  }
0x93: {  	[tilespmem:$0x300] =	vst v2  }
0x94: {  	v2 =	vld [tilespmem:s31+$0x150];
	_ =	sdelay $0x4  }
0x95: {  	v2 =	vsub.s32 v2, v0  }
0x96: {  	vm13 =	vgt.u32 v2, $0x1387  }
0x97: {  	v2 =	vsel vm13, v1, v2  }
0x98: {  	[tilespmem:$0x310] =	vst v2  }
0x99: {  	v2 =	vld [tilespmem:s31+$0x160];
	_ =	sdelay $0x4  }
0x9a: {  	v2 =	vsub.s32 v2, v0  }
0x9b: {  	vm14 =	vgt.u32 v2, $0x1387  }
0x9c: {  	v2 =	vsel vm14, v1, v2  }
0x9d: {  	[tilespmem:$0x380] =	vst v2  }
0x9e: {  	v2 =	vld [tilespmem:s31+$0x170];
	_ =	sdelay $0x2  }
0x9f: {  	s0 =	smov.u32 s29;
	p2 =	seq.s32 s26, $0x9F  }
0xa0: {  	s26 =	smov.u32 s0;
	s0 =	sand.u32 @!p2 $0xFC00, s28  }
0xa1: {  	s1 =	sand.u32 @!p2 $0x380, s28;
	s0 =	sadd.s32 @!p2 s8, s0;
	v2 =	vsub.s32 v2, v0  }
0xa2: {  	s0 =	sor.u32 @!p2 s1, s0;
	vm15 =	vgt.u32 v2, $0x1387  }
0xa3: {  	s1 =	sxor.u32 $0x1, s30;
	s30 =	sshrl.u32 @!p2 s0, $0x3;
	v2 =	vsel vm15, v1, v2  }
0xa4: {  	s18 =	simm.s32 @!p2 $0x0;
	s0 =	sshll.u32 @!p2 s1, $0x7;
	s1 =	sadd.s32 @!p2 s2, s30;
	[tilespmem:$0x390] =	vst v2  }
0xa5: {  	[tilespmem:s0], [sflag:$0x3] =	stream.linear.gather @!p2 [hbm4b:s1+s18], $0x80, $0x38;
	[tilespmem:$0x1FE00] =	vst v63  }
0xa6: {  	s30 =	sadd.s32 @!p2 s6, s30;
	s1 =	sor.u32 @!p2 $0x100, s0  }
0xa7: {  	[tilespmem:s1], [sflag:$0x3] =	stream.linear.gather @!p2 [hbm4b:s30+s18], $0x80, $0x38;
	[tilespmem:$0x1FE00] =	vst v63  }
0xa8: {  	s18 =	sadd.s32 $0x20, s31  }
0xa9: {  	[tilespmem:s21], [sflag:$0x2] =	stream.indirect.gather [spmem:s3], $0x80, s18, s19, $0xb8;
	[tilespmem:$0x1FE00] =	vst v63  }
0xaa: {  	_ =	swait.ge [sflag:s22], $0x1000  }
0xab: {  	[sflag:s22] =	ssyncset.done $0x0  }
0xac: {  	s18 =	rddreg [dreg:$0x5];
	[sflag:s22] =	ssyncadd.s32 $0xFFFFF000  }
0xad: {  	[spmem:s4] =	stream.indirect.scatter.add.f32 [tilespmem:s20], [sflag:$0x4], $0x80, s18, s19, $0xb8;
	[tilespmem:$0x1FE00] =	vst v63  }
0xae: {  	_ =	swait.ge [sflag:s16], $0x1000  }
0xaf: {  	[sflag:s16] =	ssyncset.done $0x0  }
0xb0: {  	s18 =	sadd.s32 $0x40, s31;
	[sflag:s16] =	ssyncadd.s32 $0xFFFFF000  }
0xb1: {  	[tilespmem:s20], [sflag:$0x1] =	stream.indirect.gather [spmem:s3], $0x80, s18, s19, $0xb8;
	[tilespmem:$0x1FE00] =	vst v63  }
0xb2: {  	_ =	swait.ge [sflag:s23], $0x1000  }
0xb3: {  	[sflag:s23] =	ssyncset.done $0x0  }
0xb4: {  	s18 =	rddreg [dreg:$0x6];
	[sflag:s23] =	ssyncadd.s32 $0xFFFFF000  }
0xb5: {  	[spmem:s4] =	stream.indirect.scatter.add.f32 [tilespmem:s21], [sflag:$0x4], $0x80, s18, s19, $0xb8;
	[tilespmem:$0x1FE00] =	vst v63  }
0xb6: {  	_ =	swait.ge [sflag:s16], $0x1000  }
0xb7: {  	[sflag:s16] =	ssyncset.done $0x0  }
0xb8: {  	s18 =	sadd.s32 $0x60, s31;
	[sflag:s16] =	ssyncadd.s32 $0xFFFFF000  }
0xb9: {  	[tilespmem:s21], [sflag:$0x2] =	stream.indirect.gather [spmem:s3], $0x80, s18, s19, $0xb8;
	[tilespmem:$0x1FE00] =	vst v63  }
0xba: {  	_ =	swait.ge [sflag:s22], $0x1000  }
0xbb: {  	[sflag:s22] =	ssyncset.done $0x0  }
0xbc: {  	s31 =	rddreg [dreg:$0x7];
	[sflag:s22] =	ssyncadd.s32 $0xFFFFF000  }
0xbd: {  	[spmem:s4] =	stream.indirect.scatter.add.f32 [tilespmem:s20], [sflag:$0x4], $0x80, s31, s19, $0xb8;
	[tilespmem:$0x1FE00] =	vst v63  }
0xbe: {  	_ =	swait.ge [sflag:s16], $0x1000  }
0xbf: {  	[sflag:s16] =	ssyncset.done $0x0  }
0xc0: {  	s1 =	simm.s32 @!p2 $0x3;
	[sflag:s16] =	ssyncadd.s32 $0xFFFFF000  }
0xc1: {  	_ =	swait.ge @!p2 [sflag:s1], $0x80  }
0xc2: {  	[sflag:s1] =	ssyncset.done @!p2 $0x0  }
0xc3: {  	[sflag:s1] =	ssyncadd.s32 @!p2 $0xFFFFFF80  }
0xc4: {  	_ =	swait.ge @!p2 [sflag:s1], $0x80  }
0xc5: {  	s29 =	sadd.s32 $0x1, s29;
	[sflag:s1] =	ssyncset.done @!p2 $0x0  }
0xc6: {  	s18 =	simm.s32 @!p2 $0x400;
	[sflag:s1] =	ssyncadd.s32 @!p2 $0xFFFFFF80;
	s1 =	simm.s32 @!p2 $0x20  }
0xc7: {  	[tilespmem:s18], [sflag:$0x1] =	stream.indirect.gather @!p2 [spmem:s3], $0x80, s0, s1, $0xb8;
	[tilespmem:$0x1FE00] =	vst v63  }
0xc8: {  	p1 =	sne.s32 s29, $0xA0;
	_ =	swait.ge [sflag:s23], $0x1000  }
.Ltmp0:
0xc9: {  	[sflag:s23] =	ssyncset.done $0x0;
	(pc) =	sbr.rel @p1 .LBB2_2-.Ltmp0, $4  }
0xca: {  	[sflag:s23] =	ssyncadd.s32 $0xFFFFF000  }
0xcb: {  	[spmem:s4] =	stream.indirect.scatter.add.f32 [tilespmem:s21], [sflag:$0x4], $0x80, s24, s19, $0xb8;
	[tilespmem:$0x1FE00] =	vst v63  }
0xcc: {  	_ =	swait.ge [sflag:s16], $0x1000  }
0xcd: {  	s28 =	sadd.s32 $0x80, s28;
	s30 =	sand.u32 $0x1, s26;
	[sflag:s16] =	ssyncset.done $0x0  }
0xce: {  	s0 =	sshll.u32 s30, $0x7;
	[sflag:s16] =	ssyncadd.s32 $0xFFFFF000  }
0xcf: {  	v2 =	vld [tilespmem:s0+$0x100];
	_ =	sdelay $0x4  }
0xd0: {  	v2 =	vsub.s32 v2, v0  }
0xd1: {  	vm0 =	vgt.u32 v2, $0x1387  }
0xd2: {  	v2 =	vsel vm0, v1, v2  }
0xd3: {  	[tilespmem:$0x200] =	vst v2  }
0xd4: {  	v2 =	vld [tilespmem:s0+$0x110];
	_ =	sdelay $0x4  }
0xd5: {  	v2 =	vsub.s32 v2, v0  }
0xd6: {  	vm9 =	vgt.u32 v2, $0x1387  }
0xd7: {  	v2 =	vsel vm9, v1, v2  }
0xd8: {  	[tilespmem:$0x210] =	vst v2  }
0xd9: {  	v2 =	vld [tilespmem:s0+$0x120];
	_ =	sdelay $0x4  }
0xda: {  	v2 =	vsub.s32 v2, v0  }
0xdb: {  	vm10 =	vgt.u32 v2, $0x1387  }
0xdc: {  	v2 =	vsel vm10, v1, v2  }
0xdd: {  	[tilespmem:$0x280] =	vst v2  }
0xde: {  	v2 =	vld [tilespmem:s0+$0x130];
	_ =	sdelay $0x4  }
0xdf: {  	v2 =	vsub.s32 v2, v0  }
0xe0: {  	vm11 =	vgt.u32 v2, $0x1387  }
0xe1: {  	v2 =	vsel vm11, v1, v2  }
0xe2: {  	[tilespmem:$0x290] =	vst v2  }
0xe3: {  	v2 =	vld [tilespmem:s0+$0x140];
	_ =	sdelay $0x4  }
0xe4: {  	v2 =	vsub.s32 v2, v0  }
0xe5: {  	vm12 =	vgt.u32 v2, $0x1387  }
0xe6: {  	v2 =	vsel vm12, v1, v2  }
0xe7: {  	[tilespmem:$0x300] =	vst v2  }
0xe8: {  	v2 =	vld [tilespmem:s0+$0x150];
	_ =	sdelay $0x4  }
0xe9: {  	v2 =	vsub.s32 v2, v0  }
0xea: {  	vm13 =	vgt.u32 v2, $0x1387  }
0xeb: {  	v2 =	vsel vm13, v1, v2  }
0xec: {  	[tilespmem:$0x310] =	vst v2  }
0xed: {  	v2 =	vld [tilespmem:s0+$0x160];
	_ =	sdelay $0x4  }
0xee: {  	v2 =	vsub.s32 v2, v0  }
0xef: {  	vm14 =	vgt.u32 v2, $0x1387  }
0xf0: {  	v2 =	vsel vm14, v1, v2  }
0xf1: {  	[tilespmem:$0x380] =	vst v2  }
0xf2: {  	v2 =	vld [tilespmem:s0+$0x170];
	_ =	sdelay $0x2  }
0xf3: {  	p1 =	seq.s32 s26, $0x9F  }
0xf4: {  	s1 =	sand.u32 @!p1 $0xFC00, s28  }
0xf5: {  	s18 =	sand.u32 @!p1 $0x380, s28;
	s1 =	sadd.s32 @!p1 s8, s1;
	v2 =	vsub.s32 v2, v0  }
0xf6: {  	s1 =	sor.u32 @!p1 s18, s1;
	vm15 =	vgt.u32 v2, $0x1387  }
0xf7: {  	s18 =	sxor.u32 $0x1, s30;
	s1 =	sshrl.u32 @!p1 s1, $0x3;
	v2 =	vsel vm15, v1, v2  }
0xf8: {  	s26 =	simm.s32 @!p1 $0x0;
	s18 =	sshll.u32 @!p1 s18, $0x7;
	s28 =	sadd.s32 @!p1 s2, s1;
	[tilespmem:$0x390] =	vst v2  }
0xf9: {  	[tilespmem:s18], [sflag:$0x3] =	stream.linear.gather @!p1 [hbm4b:s28+s26], $0x80, $0x38;
	[tilespmem:$0x1FE00] =	vst v63  }
0xfa: {  	s1 =	sadd.s32 @!p1 s6, s1;
	s28 =	sor.u32 @!p1 $0x100, s18  }
0xfb: {  	[tilespmem:s28], [sflag:$0x3] =	stream.linear.gather @!p1 [hbm4b:s1+s26], $0x80, $0x38;
	[tilespmem:$0x1FE00] =	vst v63  }
0xfc: {  	s26 =	sadd.s32 $0x20, s0  }
0xfd: {  	[tilespmem:s21], [sflag:$0x2] =	stream.indirect.gather [spmem:s3], $0x80, s26, s19, $0xb8;
	[tilespmem:$0x1FE00] =	vst v63  }
0xfe: {  	_ =	swait.ge [sflag:s22], $0x1000  }
0xff: {  	[sflag:s22] =	ssyncset.done $0x0  }
0x100: {  	s28 =	rddreg [dreg:$0x5];
	[sflag:s22] =	ssyncadd.s32 $0xFFFFF000  }
0x101: {  	[spmem:s4] =	stream.indirect.scatter.add.f32 [tilespmem:s20], [sflag:$0x4], $0x80, s28, s19, $0xb8;
	[tilespmem:$0x1FE00] =	vst v63  }
0x102: {  	_ =	swait.ge [sflag:s16], $0x1000  }
0x103: {  	[sflag:s16] =	ssyncset.done $0x0  }
0x104: {  	s29 =	sadd.s32 $0x40, s0;
	[sflag:s16] =	ssyncadd.s32 $0xFFFFF000  }
0x105: {  	[tilespmem:s20], [sflag:$0x1] =	stream.indirect.gather [spmem:s3], $0x80, s29, s19, $0xb8;
	[tilespmem:$0x1FE00] =	vst v63  }
0x106: {  	_ =	swait.ge [sflag:s23], $0x1000  }
0x107: {  	[sflag:s23] =	ssyncset.done $0x0  }
0x108: {  	s30 =	rddreg [dreg:$0x6];
	[sflag:s23] =	ssyncadd.s32 $0xFFFFF000  }
0x109: {  	[spmem:s4] =	stream.indirect.scatter.add.f32 [tilespmem:s21], [sflag:$0x4], $0x80, s30, s19, $0xb8;
	[tilespmem:$0x1FE00] =	vst v63  }
0x10a: {  	_ =	swait.ge [sflag:s16], $0x1000  }
0x10b: {  	[sflag:s16] =	ssyncset.done $0x0  }
0x10c: {  	s0 =	sadd.s32 $0x60, s0;
	[sflag:s16] =	ssyncadd.s32 $0xFFFFF000  }
0x10d: {  	[tilespmem:s21], [sflag:$0x2] =	stream.indirect.gather [spmem:s3], $0x80, s0, s19, $0xb8;
	[tilespmem:$0x1FE00] =	vst v63  }
0x10e: {  	_ =	swait.ge [sflag:s22], $0x1000  }
0x10f: {  	[sflag:s22] =	ssyncset.done $0x0  }
0x110: {  	s31 =	rddreg [dreg:$0x7];
	[sflag:s22] =	ssyncadd.s32 $0xFFFFF000  }
0x111: {  	[spmem:s4] =	stream.indirect.scatter.add.f32 [tilespmem:s20], [sflag:$0x4], $0x80, s31, s19, $0xb8;
	[tilespmem:$0x1FE00] =	vst v63  }
0x112: {  	_ =	swait.ge [sflag:s16], $0x1000  }
0x113: {  	[sflag:s16] =	ssyncset.done $0x0  }
0x114: {  	s0 =	simm.s32 @!p1 $0x3;
	[sflag:s16] =	ssyncadd.s32 $0xFFFFF000  }
0x115: {  	_ =	swait.ge @!p1 [sflag:s0], $0x80  }
0x116: {  	[sflag:s0] =	ssyncset.done @!p1 $0x0  }
0x117: {  	[sflag:s0] =	ssyncadd.s32 @!p1 $0xFFFFFF80  }
0x118: {  	_ =	swait.ge @!p1 [sflag:s0], $0x80  }
0x119: {  	[sflag:s0] =	ssyncset.done @!p1 $0x0  }
0x11a: {  	s1 =	simm.s32 @!p1 $0x400;
	[sflag:s0] =	ssyncadd.s32 @!p1 $0xFFFFFF80;
	s0 =	simm.s32 @!p1 $0x20  }
0x11b: {  	[tilespmem:s1], [sflag:$0x1] =	stream.indirect.gather @!p1 [spmem:s3], $0x80, s18, s0, $0xb8;
	[tilespmem:$0x1FE00] =	vst v63  }
0x11c: {  	_ =	swait.ge [sflag:s23], $0x1000  }
0x11d: {  	[sflag:s23] =	ssyncset.done $0x0  }
0x11e: {  	[sflag:s23] =	ssyncadd.s32 $0xFFFFF000  }
0x11f: {  	[spmem:s4] =	stream.indirect.scatter.add.f32 [tilespmem:s21], [sflag:$0x4], $0x80, s24, s19, $0xb8;
	[tilespmem:$0x1FE00] =	vst v63  }
0x120: {  	_ =	swait.ge [sflag:s16], $0x1000  }
0x121: {  	s25 =	sadd.s32 $0x1, s25;
	[sflag:s16] =	ssyncset.done $0x0  }
0x122: {  	p1 =	sne.s32 s25, s14;
	[sflag:s16] =	ssyncadd.s32 $0xFFFFF000  }
.Ltmp1:
0x123: {  	s0 =	simm.s32 @!p0 $0x4;
	[bflag:$0x0] =	sbarrier.arrive $0xFFFF;
	(pc) =	sbr.rel @p1 .LBB2_1-.Ltmp1, $4  }
0x124: {  	[hbm:s13], [sflag:s10] =	dma.local @!p0 [spmem:s17], $0x2780  }
0x125: {  	_ =	swait.ge @!p0 [sflag:s0], $0x2780  }
0x126: {  	[sflag:s0] =	ssyncset.done @!p0 $0x0  }
0x127: {  	[sflag:s0] =	ssyncadd.s32 @!p0 $0xFFFFD880  }
0x128: {  	_ =	sfence.sel $0x180000  }
0x129: {  	[bflag:$0x0] =	sbarrier.arrive $0xFFFF  }
0x12a: {  	_ =	strace $0x9000004A  }
0x12b: {  	s0 =	stileid.u32;
	[bflag:$0x2] =	sbarrier.arrive $0xFFFF  }
0x12c: {  	p0 =	sne.s32 s0, $0x0;
	s0 =	rddreg [dreg:$0x4]  }
0x12d: {  	s0 =	sadd.s32 @!p0 $0x100000, s0  }
0x12e: {  	[sflag:s0] =	ssyncadd.tile.s32 @!p0 $0x1;
	_ =	shalt  }
.Lfunc_end2:
_tile_overlayer_lowered:
.L_overlay_start_2:
0x12f: {  	(tag) =	ssettag $0x2  }
0x130: {  	s0 =	rddreg [dreg:$0x0];
	s2 =	stileid.u32  }
0x131: {  	s1 =	rddreg [dreg:$0x1];
	p0 =	sne.s32 s2, $0x0  }
0x132: {  	s3 =	rddreg [dreg:$0x2];
	[bflag:$0x3] =	sbarrier.arrive $0xFFFF;
	s2 =	simm.s32 @!p0 $0x1C04  }
0x133: {  	[timem:s3], [sflag:s2] =	dma.local @!p0 [hbm:s0], s1  }
0x134: {  	s0 =	simm.s32 @!p0 $0x4  }
0x135: {  	_ =	swait.ge @!p0 [sflag:s0], s1  }
0x136: {  	s1 =	ssub.s32 @!p0 $0x0, s1;
	[sflag:s0] =	ssyncset.done @!p0 $0x0  }
0x137: {  	[sflag:s0] =	ssyncadd.s32 @!p0 s1  }
0x138: {  	[bflag:$0x3] =	sbarrier.arrive $0xFFFF  }
0x139: {  	_ =	shalt  }

// kernel: kernel.8.cloned.1.call-start
scs
__scs_entry_jumppad:
0x0: {  	(pc) =	sbr.rel $0x88, $3  }
0x1: {  	(tag) =	ssettag $0x0;
	lr =	simm.s32 $0x1  }
0x2: {  	[smem:$0x3F9D] =	sst lr;
	_ =	strace $0xD0000000  }
0x3: {  	_ = 	snop  }
0x4: {  	_ = 	snop  }
0x5: {  	_ = 	snop  }
0x6: {  	_ = 	snop  }
0x7: {  	_ = 	snop  }
__scs_overlays_trampoline_lowered:
0x8: {  	[smem:$0x3FAC] =	sst s0  }
0x9: {  	[smem:$0x3FAD] =	sst s1  }
0xa: {  	[smem:$0x3FAE] =	sst s2  }
0xb: {  	[smem:$0x3FAF] =	sst s3  }
0xc: {  	[smem:$0x3FB0] =	sst s4  }
0xd: {  	[smem:$0x3FB1] =	sst s5  }
0xe: {  	[smem:$0x3FB2] =	sst s6  }
0xf: {  	[smem:$0x3FB3] =	sst s7  }
0x10: {  	[smem:$0x3FB4] =	sst s8  }
0x11: {  	[smem:$0x3FB5] =	sst s9;
	s0 =	simm.s32 @!p0 $0x0  }
0x12: {  	s1 =	sld [smem:$0x3F9B];
	s0 =	simm.s32 @p0 $0x1  }
0x13: {  	[smem:$0x3FB6] =	sst s0;
	s0 =	simm.s32 @!p1 $0x0  }
0x14: {  	s2 =	sld [smem:$0x3F9A];
	s0 =	simm.s32 @p1 $0x1  }
0x15: {  	[smem:$0x3FB7] =	sst s0;
	s0 =	simm.s32 @!p2 $0x0  }
0x16: {  	s3 =	sld [smem:$0x3FDB];
	s0 =	simm.s32 @p2 $0x1  }
0x17: {  	s4 =	simm.s32 $0x1BF5;
	[smem:$0x3FB9] =	sst s0  }
0x18: {  	s0 =	sld [smem:$0x3F9C];
	_ =	swait.ge [sflag:s4], $0x0  }
0x19: {  	s7 =	sld [smem:$0x3F9D]  }
0x1a: {  	s8 =	sadd.s32 $0xFFFFE003, lr  }
0x1b: {  	s9 =	sadd.s32 $0xFFFFFEF7, lr;
	s5 =	simm.s32 $0xFFFFFFFF;
	p2 =	slt.u32 s8, $0xFFFFF086  }
0x1c: {  	p1 =	slt.u32 s9, $0xF7A;
	s5 =	simm.s32 @!p2 $0x0  }
0x1d: {  	s5 =	simm.s32 @p1 $0x1;
	p0 =	seq.s32 s7, s2  }
0x1e: {  	s7 =	smul.u32 @!p0 $0xF7A, s2;
	p2 =	seq.s32 @!p0 s5, $0x0  }
0x1f: {  	s9 =	smul.u32 $0xF7A, s1;
	s8 =	simm.s32 @!p0 $0x1BF5;
	p2 =	por !p2, p0  }
0x20: {  	[sflag:s8] =	ssyncset.s32 @!p0 $0xFFFFF086;
	s6 =	sadd.s32 @!p0 s3, s7;
	s7 =	simm.s32 @!p0 $0x108  }
0x21: {  	s3 =	sadd.s32 s3, s9;
	s6 =	sadd.s32 @!p0 $0x88, s6;
	s7 =	simm.s32 @p2 $0x1082  }
0x22: {  	[simem:s7], [sflag:s8] =	dma.local @!p0 [hbm:s6], $0xF7A  }
0x23: {  	s9 =	sor.u32 $0xD0000000, s2;
	s6 =	simm.s32 $0x108;
	_ =	swait.ge @!p0 [sflag:s8], $0x0  }
0x24: {  	s3 =	sadd.s32 $0x88, s3;
	s6 =	simm.s32 @!p1 $0x1082;
	[sflag:s4] =	ssyncset.s32 $0xFFFFF086  }
0x25: {  	[simem:s6], [sflag:s4] =	dma.local [hbm:s3], $0xF7A  }
0x26: {  	[smem:$0x3F9D] =	sst s1;
	(tag) =	ssettag s2;
	_ =	strace s9  }
0x27: {  	s1 =	sld [smem:$0x3FAD]  }
0x28: {  	s2 =	sld [smem:$0x3FAE]  }
0x29: {  	s4 =	sld [smem:$0x3FB0]  }
0x2a: {  	p0 =	seq.s32 s5, $0x0;
	s5 =	sld [smem:$0x3FB1]  }
0x2b: {  	s6 =	sld [smem:$0x3FB2]  }
0x2c: {  	s7 =	sld [smem:$0x3FB3]  }
0x2d: {  	s3 =	simm.s32 $0x108;
	s8 =	sld [smem:$0x3FB4]  }
0x2e: {  	s3 =	simm.s32 @!p0 $0x1082;
	s9 =	sld [smem:$0x3FB5]  }
0x2f: {  	lr =	sadd.s32 s0, s3;
	s0 =	sld [smem:$0x3FAC]  }
0x30: {  	s3 =	sld [smem:$0x3FAF]  }
0x31: {  	[smem:$0x3FB8] =	sst s10  }
0x32: {  	s10 =	sld [smem:$0x3FB6];
	_ =	sdelay $0x3  }
0x33: {  	p0 =	seq.s32 s10, $0x1;
	s10 =	sld [smem:$0x3FB8];
	_ =	sdelay $0x3  }
0x34: {  	[smem:$0x3FB8] =	sst s10  }
0x35: {  	s10 =	sld [smem:$0x3FB7];
	_ =	sdelay $0x3  }
0x36: {  	p1 =	seq.s32 s10, $0x1;
	s10 =	sld [smem:$0x3FB8];
	_ =	sdelay $0x3  }
0x37: {  	[smem:$0x3FB8] =	sst s10  }
0x38: {  	s10 =	sld [smem:$0x3FB9]  }
0x39: {  	_ = 	snop;
	(pc) =	sbr.ind lr, $3  }
0x3a: {  	_ = 	snop  }
0x3b: {  	_ = 	snop  }
0x3c: {  	p2 =	seq.s32 s10, $0x1;
	s10 =	sld [smem:$0x3FB8]  }
0x3d: {  	_ =	shalt  }
0x3e: {  	_ =	shalt  }
0x3f: {  	_ =	shalt  }
0x40: {  	_ =	shalt  }
0x41: {  	_ =	shalt  }
0x42: {  	_ =	shalt  }
0x43: {  	_ =	shalt  }
0x44: {  	_ =	shalt  }
0x45: {  	_ =	shalt  }
0x46: {  	_ =	shalt  }
0x47: {  	_ =	shalt  }
0x48: {  	_ =	shalt  }
0x49: {  	_ =	shalt  }
0x4a: {  	_ =	shalt  }
0x4b: {  	_ =	shalt  }
0x4c: {  	_ =	shalt  }
0x4d: {  	_ =	shalt  }
0x4e: {  	_ =	shalt  }
0x4f: {  	_ =	shalt  }
0x50: {  	_ =	shalt  }
0x51: {  	_ =	shalt  }
0x52: {  	_ =	shalt  }
0x53: {  	_ =	shalt  }
0x54: {  	_ =	shalt  }
0x55: {  	_ =	shalt  }
0x56: {  	_ =	shalt  }
0x57: {  	_ =	shalt  }
0x58: {  	_ =	shalt  }
0x59: {  	_ =	shalt  }
0x5a: {  	_ =	shalt  }
0x5b: {  	_ =	shalt  }
0x5c: {  	_ =	shalt  }
0x5d: {  	_ =	shalt  }
0x5e: {  	_ =	shalt  }
0x5f: {  	_ =	shalt  }
0x60: {  	_ =	shalt  }
0x61: {  	_ =	shalt  }
0x62: {  	_ =	shalt  }
0x63: {  	_ =	shalt  }
0x64: {  	_ =	shalt  }
0x65: {  	_ =	shalt  }
0x66: {  	_ =	shalt  }
0x67: {  	_ =	shalt  }
0x68: {  	_ =	shalt  }
0x69: {  	_ =	shalt  }
0x6a: {  	_ =	shalt  }
0x6b: {  	_ =	shalt  }
0x6c: {  	_ =	shalt  }
0x6d: {  	_ =	shalt  }
0x6e: {  	_ =	shalt  }
0x6f: {  	_ =	shalt  }
0x70: {  	_ =	shalt  }
0x71: {  	_ =	shalt  }
0x72: {  	_ =	shalt  }
0x73: {  	_ =	shalt  }
0x74: {  	_ =	shalt  }
0x75: {  	_ =	shalt  }
0x76: {  	_ =	shalt  }
0x77: {  	_ =	shalt  }
0x78: {  	_ =	shalt  }
0x79: {  	_ =	shalt  }
0x7a: {  	_ =	shalt  }
0x7b: {  	_ =	shalt  }
0x7c: {  	_ =	shalt  }
0x7d: {  	_ =	shalt  }
0x7e: {  	_ =	shalt  }
0x7f: {  	_ =	shalt  }
0x80: {  	_ =	shalt  }
0x81: {  	_ =	shalt  }
0x82: {  	_ =	shalt  }
0x83: {  	_ =	shalt  }
0x84: {  	_ =	shalt  }
0x85: {  	_ =	shalt  }
0x86: {  	_ =	shalt  }
0x87: {  	_ =	shalt  }
.Lfunc_end0:
.L_simem_size_0:
called_computation.1_lowered:
.L_overlay_start_0:
0x88: {  	s2 =	sld [smem:$0x3FD9]  }
0x89: {  	s3 =	sld [smem:$0x3FFE];
	_ =	sdelay $0x1  }
0x8a: {  	s1 =	srdreg.scid  }
0x8b: {  	s0 =	sand.u32 $0x1, s1  }
0x8c: {  	s16 =	sshll.u32 s0, $0xA;
	s2 =	sadd.s32 s3, s2  }
0x8d: {  	s2 =	sadd.s32 s2, s16  }
0x8e: {  	[smem:$0x3FC4] =	sst s2  }
0x8f: {  	_ = 	snop  }
0x90: {  	(tm) =	ssettm $0x1  }
0x91: {  	s17 =	sld [smem:$0x3FFB];
	_ =	sdelay $0x3  }
0x92: {  	_ =	strace s17  }
0x93: {  	s2 =	sld [smem:$0x3FFC];
	_ =	sdelay $0x3  }
0x94: {  	_ =	strace s2  }
0x95: {  	s2 =	sld [smem:$0x3FFD];
	_ =	sdelay $0x3  }
0x96: {  	_ =	strace s2  }
0x97: {  	_ =	strace $0x8FFFFFFF  }
0x98: {  	s18 =	sld [smem:$0x3FDB];
	_ =	sdelay $0x1  }
0x99: {  	s19 =	simm.s32 $_scs_section_size  }
0x9a: {  	s4 =	simm.s32 $_size__tile_overlayer_lowered;
	s5 =	simm.s32 $_tile_overlayer_lowered  }
0x9b: {  	s22 =	simm.s32 $0x1BFF;
	s21 =	sshll.u32 s5, $0x1;
	s2 =	sadd.s32 s19, s18  }
0x9c: {  	s6 =	simm.s32 $0x0;
	s20 =	sshll.u32 s4, $0x1;
	s4 =	sadd.s32 s21, s2  }
0x9d: {  	[timem:s6], [sflag:s22] =	dma.local [hbm:s4], s20  }
0x9e: {  	_ =	swait.ge [sflag:s22], s20  }
0x9f: {  	s3 =	ssub.s32 $0x0, s20;
	[sflag:s22] =	ssyncset.done $0x0  }
0xa0: {  	[sflag:s22] =	ssyncadd.s32 s3;
	_ =	sdelay $0x1  }
0xa1: {  	s23 =	simm.s32 $0x1B8B  }
0xa2: {  	_ =	swait.ge [sflag:s23], $0x1  }
0xa3: {  	[sflag:s23] =	ssyncset.done $0x0  }
0xa4: {  	s25 =	simm.s32 $0x1B8E;
	s24 =	sld [smem:$0x3FFE];
	[sflag:s23] =	ssyncadd.s32 $0xFFFFFFFF  }
0xa5: {  	s26 =	simm.s32 $execute0_lowered;
	[smem:$0x3FD2] =	sst s25  }
0xa6: {  	s4 =	sshll.u32 s26, $0x1;
	_ =	strace $0x80000046;
	[dreg:$0x1] =	wrdreg $0xFFFFFFFF  }
0xa7: {  	s28 =	simm.s32 $_size_execute0_lowered;
	s2 =	sadd.s32 s2, s4;
	[dreg:$0x0] =	wrdreg $0x0  }
0xa8: {  	s4 =	sshll.u32 s28, $0x1;
	[dreg:$0x2] =	wrdreg s2  }
0xa9: {  	[dreg:$0x3] =	wrdreg s4  }
0xaa: {  	[dreg:$0x4] =	wrdreg $0xC0  }
0xab: {  	_ =	task [dreg:s6], $0x5FFFF  }
0xac: {  	[dreg:$0x1] =	wrdreg $0xFFFFFFFF  }
0xad: {  	[dreg:$0x0] =	wrdreg $0x60  }
0xae: {  	[dreg:$0x2] =	wrdreg s24  }
0xaf: {  	[dreg:$0x3] =	wrdreg $0xA  }
0xb0: {  	_ =	task.clear_ibuf [dreg:s6], $0x4FFFF;
	_ =	strace $0x90000046  }
0xb1: {  	s29 =	simm.s32 $0xA;
	_ =	strace $0x80000048  }
0xb2: {  	_ =	swait.ge [sflag:s29], $0x1  }
0xb3: {  	[sflag:s29] =	ssyncadd.s32 $0xFFFFFFFF  }
0xb4: {  	_ =	strace $0x90000048  }
0xb5: {  	_ =	sfence  }
0xb6: {  	s30 =	sld [smem:$0x0];
	_ =	sdelay $0x2  }
0xb7: {  	s31 =	sshll.u32 s1, $0xD;
	s1 =	sshrl.u32 s1, $0x2  }
0xb8: {  	s3 =	sand.u32 $0x4000, s31;
	s1 =	sadd.s32 s1, s30  }
0xb9: {  	s0 =	sor.u32 s3, s0;
	s1 =	sshll.u32 s1, $0x11  }
0xba: {  	s0 =	sor.u32 s1, s0  }
0xbb: {  	s0 =	sadd.s32 $0x8F2B, s0  }
0xbc: {  	[sflag:s0] =	ssyncadd.remote.s32 $0x1  }
0xbd: {  	_ =	sfence.sel $0xFFFF  }
0xbe: {  	[dreg:$0x0] =	wrdreg $0xFFFFFFFF;
	(pc) =	sbr.abs _section_cstart, $3  }
0xbf: {  	[dreg:$0x1] =	wrdreg $0xFFFFFFFF  }
0xc0: {  	_ =	task.clear_ibuf [dreg:s6], $0x2FFFF;
	_ =	strace $0x9FFFFFFF  }
0xc1: {  	(tm) =	ssettm $0x7FFFFFFF  }
tec
execute0_lowered:
.L_overlay_start_1:
0x0: {  	(tag) =	ssettag $0x1  }
0x1: {  	s1 =	srdreg.scid  }
0x2: {  	s0 =	stileid.u32;
	s4 =	rddreg [dreg:$0x0];
	s8 =	simm.s32 $0x1  }
0x3: {  	s9 =	simm.s32 $0x80;
	s10 =	simm.s32 $0x400;
	s11 =	simm.s32 $0x0  }
0x4: {  	s3 =	sand.u32 $0x1, s1;
	s2 =	sshll.u32 s0, $0x1;
	s1 =	rddreg [dreg:$0x1]  }
0x5: {  	s6 =	sshrl.u32 s0, $0x2;
	s5 =	sor.u32 s3, s2;
	s2 =	simm.s32 $0x0  }
0x6: {  	s6 =	smul.u32 $0x14000, s6;
	s30 =	ssub.s32 $0x2, s3;
	s7 =	sshll.u32 s5, $0x7  }
0x7: {  	s3 =	sadd.s32 $0xAE00, s4;
	s5 =	smul.u32 $0x500, s5;
	s7 =	sand.u32 $0x380, s7  }
0x8: {  	[smem:$0x7FF] =	sst s2;
	s31 =	sshrl.u32 s30, $0x1;
	s6 =	sor.u32 s6, s7  }
0x9: {  	_ =	strace $0x80000047;
	s5 =	sadd.s32 s5, s4;
	s6 =	sshrl.u32 s6, $0x3  }
0xa: {  	s7 =	ssub.s32 s30, s31;
	s6 =	sadd.s32 s6, s4;
	s4 =	sadd.s32 $0xE00, s5  }
0xb: {  	v0 =	vimm.f32 $1.000000000e+00;
	s5 =	sadd.s32 $0xB400, s6;
	s6 =	smax.u32 s7, $0x1;
	s7 =	simm.s32 $0x2800  }
.LBB2_1:
0xc: {  	[tilespmem:s7], [sflag:$0x1] =	stream.linear.gather [hbm4b:s3+s2], $0x2800, $0x38;
	[tilespmem:$0x5000] =	vst v63  }
0xd: {  	_ =	swait.ge [sflag:s8], $0x2800  }
0xe: {  	[sflag:s8] =	ssyncset.done $0x0  }
0xf: {  	[sflag:s8] =	ssyncadd.s32 $0xFFFFD800  }
0x10: {  	[tilespmem:s2], [sflag:$0x1] =	stream.linear.gather [hbm4b:s4+s2], $0x2800, $0x38;
	[tilespmem:$0x5000] =	vst v63  }
0x11: {  	_ =	swait.ge [sflag:s8], $0x2800  }
0x12: {  	[sflag:s8] =	ssyncset.done $0x0  }
0x13: {  	s12 =	simm.s32 $0x0;
	[sflag:s8] =	ssyncadd.s32 $0xFFFFD800  }
.LBB2_2:
0x14: {  	s13 =	sshra.s32 s12, $0x2  }
0x15: {  	v1 =	vld [tilespmem:s13+$0x0];
	_ =	sdelay $0x7  }
0x16: {  	[tilespmem:v1+s7+$0x0] =	vst.idx.add.f32.msk $0xffff, v0  }
0x17: {  	v1 =	vld [tilespmem:s13+$0x10];
	_ =	sdelay $0x7  }
0x18: {  	[tilespmem:v1+s7+$0x0] =	vst.idx.add.f32.msk $0xffff, v0  }
0x19: {  	v1 =	vld [tilespmem:s13+$0x20];
	_ =	sdelay $0x7  }
0x1a: {  	[tilespmem:v1+s7+$0x0] =	vst.idx.add.f32.msk $0xffff, v0  }
0x1b: {  	v1 =	vld [tilespmem:s13+$0x30];
	_ =	sdelay $0x7  }
0x1c: {  	[tilespmem:v1+s7+$0x0] =	vst.idx.add.f32.msk $0xffff, v0  }
0x1d: {  	v1 =	vld [tilespmem:s13+$0x40];
	_ =	sdelay $0x7  }
0x1e: {  	[tilespmem:v1+s7+$0x0] =	vst.idx.add.f32.msk $0xffff, v0  }
0x1f: {  	v1 =	vld [tilespmem:s13+$0x50];
	_ =	sdelay $0x7  }
0x20: {  	[tilespmem:v1+s7+$0x0] =	vst.idx.add.f32.msk $0xffff, v0  }
0x21: {  	v1 =	vld [tilespmem:s13+$0x60];
	_ =	sdelay $0x7  }
0x22: {  	[tilespmem:v1+s7+$0x0] =	vst.idx.add.f32.msk $0xffff, v0  }
0x23: {  	v1 =	vld [tilespmem:s13+$0x70];
	_ =	sdelay $0x2  }
0x24: {  	p0 =	sne.s32 s12, $0x9E00  }
.Ltmp0:
0x25: {  	_ = 	snop;
	(pc) =	sbr.rel @p0 .LBB2_2-.Ltmp0, $2  }
0x26: {  	_ =	sdelay $0x2  }
0x27: {  	s12 =	sadd.s32 $0x200, s12;
	[tilespmem:v1+s7+$0x0] =	vst.idx.add.f32.msk $0xffff, v0  }
0x28: {  	s11 =	sadd.s32 $0x1, s11  }
0x29: {  	p0 =	sne.s32 s11, s6  }
.Ltmp1:
0x2a: {  	_ = 	snop;
	(pc) =	sbr.rel @p0 .LBB2_1-.Ltmp1, $4  }
0x2b: {  	[hbm4b:s5+s9] =	stream.strided.scatter [tilespmem:s7], [sflag:$0x1], $0x2800, s10, s9, $0x38;
	[tilespmem:$0x5000] =	vst v63  }
0x2c: {  	_ =	swait.ge [sflag:s8], $0x2800  }
0x2d: {  	[sflag:s8] =	ssyncset.done $0x0  }
0x2e: {  	[sflag:s8] =	ssyncadd.s32 $0xFFFFD800  }
0x2f: {  	_ =	sfence.sel $0x180000  }
0x30: {  	[bflag:$0x0] =	sbarrier.arrive $0xFFFF  }
0x31: {  	p0 =	sne.s32 s0, $0x0;
	_ =	strace $0x90000047  }
0x32: {  	s0 =	sadd.s32 @!p0 $0x100000, s1;
	[bflag:$0x2] =	sbarrier.arrive $0xFFFF  }
0x33: {  	[sflag:s0] =	ssyncadd.tile.s32 @!p0 $0x1;
	_ =	shalt  }
.Lfunc_end2:
_tile_overlayer_lowered:
.L_overlay_start_2:
0x34: {  	(tag) =	ssettag $0x2  }
0x35: {  	s0 =	rddreg [dreg:$0x0];
	s2 =	stileid.u32  }
0x36: {  	s1 =	rddreg [dreg:$0x1];
	p0 =	sne.s32 s2, $0x0  }
0x37: {  	s3 =	rddreg [dreg:$0x2];
	[bflag:$0x3] =	sbarrier.arrive $0xFFFF;
	s2 =	simm.s32 @!p0 $0x1C01  }
0x38: {  	[timem:s3], [sflag:s2] =	dma.local @!p0 [hbm:s0], s1  }
0x39: {  	s0 =	simm.s32 @!p0 $0x1  }
0x3a: {  	_ =	swait.ge @!p0 [sflag:s0], s1  }
0x3b: {  	s1 =	ssub.s32 @!p0 $0x0, s1;
	[sflag:s0] =	ssyncset.done @!p0 $0x0  }
0x3c: {  	[sflag:s0] =	ssyncadd.s32 @!p0 s1  }
0x3d: {  	[bflag:$0x3] =	sbarrier.arrive $0xFFFF  }
0x3e: {  	_ =	shalt  }

</sc_bundles>
